<compile_context>
chip_gen: v7x
topology: tpu7x:2x2x1
jax: 0.10.2.dev20260603
libtpu: 0.0.44.dev20260713+nightly
codegen_flags: <defaults>
</compile_context>

<pallas_src>
import functools

import jax
import jax.numpy as jnp
from jax import lax
from jax.experimental import pallas as pl
from jax.experimental.pallas import tpu as pltpu
from jax.experimental.pallas import tpu_sc as plsc

B = 16384
D = 16
H = 16
NROW = 1000000
NL = NROW // 8
NC, NS = 2, 16
NW = NC * NS
BPW = B // NW
G = BPW // 16

_sc_mesh = plsc.VectorSubcoreMesh(
    core_axis_name="c", subcore_axis_name="s", num_cores=NC, num_subcores=NS)

@functools.partial(
    pl.kernel,
    out_type=[jax.ShapeDtypeStruct((D, B), jnp.float32)] * 4,
    mesh=_sc_mesh,
    scratch_types=[
        pltpu.VMEM((BPW,), jnp.int32),
        pltpu.VMEM((BPW,), jnp.int32),
        pltpu.VMEM((BPW,), jnp.int32),
        pltpu.VMEM((BPW,), jnp.int32),
        pltpu.VMEM((BPW, 128), jnp.float32),
        pltpu.VMEM((4, D, BPW), jnp.float32),
        pltpu.SemaphoreType.DMA,
    ],
    compiler_params=pltpu.CompilerParams(
        use_tc_tiling_on_sc=True, needs_layout_passes=False),
)
def _sc_gather(c0, c1, c2, c3, qu_h, qi_h, lu_h, li_h,
               o0, o1, o2, o3, qu, qi, lu, li, rows, sel, sem):
    wid = lax.axis_index("s") * NC + lax.axis_index("c")
    base = wid * BPW
    pltpu.sync_copy(qu_h.at[pl.ds(base, BPW)], qu)
    pltpu.sync_copy(qi_h.at[pl.ds(base, BPW)], qi)
    pltpu.sync_copy(lu_h.at[pl.ds(base, BPW)], lu)
    pltpu.sync_copy(li_h.at[pl.ds(base, BPW)], li)
    lane = lax.iota(jnp.int32, 16)

    for t, (tbl, q, l) in enumerate((
            (c0, qu, lu), (c1, qi, li), (c2, qu, lu), (c3, qi, li))):
        pltpu.async_copy(tbl.at[q], rows, sem).wait()

        def body(g, _, l=l, t=t):
            j16 = g * 16 + lane
            l16 = l[pl.ds(g * 16, 16)]
            for d in range(D):
                v = plsc.load_gather(rows, [j16, l16 + d])
                sel[t, d, pl.ds(g * 16, 16)] = v
            return 0

        lax.fori_loop(0, G, body, 0)

    for t, o in enumerate((o0, o1, o2, o3)):
        pltpu.sync_copy(sel.at[t], o.at[:, pl.ds(base, BPW)])


RB = 1000


def _repack_body(x, o):
    o[...] = x[...].reshape(RB, 128)


_tc_repack = pl.pallas_call(
    _repack_body,
    grid=(NL // RB,),
    in_specs=[pl.BlockSpec((RB, 8, D), lambda b: (b, 0, 0))],
    out_specs=pl.BlockSpec((RB, 128), lambda b: (b, 0)),
    out_shape=jax.ShapeDtypeStruct((NL, 128), jnp.float32),
)


def _repack(t0, t1, t2, t3):
    return (
        _tc_repack(t0.reshape(NL, 8, D)), _tc_repack(t1.reshape(NL, 8, D)),
        _tc_repack(t2.reshape(NL, 8, D)), _tc_repack(t3.reshape(NL, 8, D)))


BLK = 4096


def _tc_body(ug, ig, um, im, w1, b1, wo, bo, out):
    gmf = ug[...] * ig[...]
    x = jnp.concatenate([um[...], im[...]], axis=0)
    h = jnp.maximum(
        jnp.dot(w1[...], x, preferred_element_type=jnp.float32) + b1[...],
        0.0)
    xc = jnp.concatenate([gmf, h], axis=0)
    logit = jnp.dot(wo[...], xc, preferred_element_type=jnp.float32) + bo[...]
    out[...] = 1.0 / (1.0 + jnp.exp(-logit))


_tc_mlp = pl.pallas_call(
    _tc_body,
    grid=(B // BLK,),
    in_specs=[
        pl.BlockSpec((D, BLK), lambda b: (0, b)),
        pl.BlockSpec((D, BLK), lambda b: (0, b)),
        pl.BlockSpec((D, BLK), lambda b: (0, b)),
        pl.BlockSpec((D, BLK), lambda b: (0, b)),
        pl.BlockSpec((H, 2 * D), lambda b: (0, 0)),
        pl.BlockSpec((H, 1), lambda b: (0, 0)),
        pl.BlockSpec((1, D + H), lambda b: (0, 0)),
        pl.BlockSpec((1, 1), lambda b: (0, 0)),
    ],
    out_specs=pl.BlockSpec((1, BLK), lambda b: (0, b)),
    out_shape=jax.ShapeDtypeStruct((1, B), jnp.float32),
)


def kernel(user_gmf, item_gmf, user_mlp, item_mlp, W1, b1, Wo, bo, u, i):
    cug, cig, cum, cim = _repack(user_gmf, item_gmf, user_mlp, item_mlp)
    qu = jnp.right_shift(u, 3)
    qi = jnp.right_shift(i, 3)
    lu = jnp.left_shift(jnp.bitwise_and(u, 7), 4)
    li = jnp.left_shift(jnp.bitwise_and(i, 7), 4)
    ug, ig, um, im = _sc_gather(cug, cig, cum, cim, qu, qi, lu, li)
    out = _tc_mlp(ug, ig, um, im, W1, b1.reshape(H, 1), Wo,
                  bo.reshape(1, 1))
    return out.reshape(B)

# --- scband reference (transcript-rebuilt; emitter-appended) ---
"""Pipeline reference for scband-neu-mf-40003325394994 (READ-ONLY COPY).

The authoritative reference and input builder live on the scoring server;
editing this copy changes nothing except your own understanding.
"""

import jax, jax.numpy as jnp
import numpy as np

NUM_USERS = 1000000
NUM_ITEMS = 1000000
MF_DIM = 16
MLP0 = 32  # mlp_layers[0]
MLP1 = 16  # mlp_layers[1]
BATCH = 16384


def setup_inputs(seed: int = 0) -> dict:
    key = jax.random.key(seed)
    ks = jax.random.split(key, 12)
    u = jax.random.randint(ks[0], (BATCH,), 0, NUM_USERS, dtype=jnp.int64) if jax.config.jax_enable_x64 else jax.random.randint(ks[0], (BATCH,), 0, NUM_USERS).astype(jnp.int32)
    i = jax.random.randint(ks[1], (BATCH,), 0, NUM_ITEMS, dtype=jnp.int64) if jax.config.jax_enable_x64 else jax.random.randint(ks[1], (BATCH,), 0, NUM_ITEMS).astype(jnp.int32)
    user_gmf = jax.random.normal(ks[2], (NUM_USERS, MF_DIM), dtype=jnp.float32) * 0.05
    item_gmf = jax.random.normal(ks[3], (NUM_ITEMS, MF_DIM), dtype=jnp.float32) * 0.05
    user_mlp = jax.random.normal(ks[4], (NUM_USERS, MLP0 // 2), dtype=jnp.float32) * 0.05
    item_mlp = jax.random.normal(ks[5], (NUM_ITEMS, MLP0 // 2), dtype=jnp.float32) * 0.05
    W1 = jax.random.normal(ks[6], (MLP1, MLP0), dtype=jnp.float32) * (1.0 / np.sqrt(MLP0))
    b1 = jnp.zeros((MLP1,), dtype=jnp.float32)
    Wo = jax.random.normal(ks[7], (1, MF_DIM + MLP1), dtype=jnp.float32) * (1.0 / np.sqrt(MF_DIM + MLP1))
    bo = jnp.zeros((1,), dtype=jnp.float32)
    return {
        "user_gmf": user_gmf, "item_gmf": item_gmf,
        "user_mlp": user_mlp, "item_mlp": item_mlp,
        "W1": W1, "b1": b1, "Wo": Wo, "bo": bo,
        "u": u, "i": i,
    }


def reference(user_gmf, item_gmf, user_mlp, item_mlp, W1, b1, Wo, bo, u, i):
    # GMF branch: elementwise product of embeddings
    gmf = jnp.take(user_gmf, u, axis=0) * jnp.take(item_gmf, i, axis=0)
    # MLP branch: concat embeddings, one hidden layer (Dropout is identity in eval)
    mlp_in = jnp.concatenate([jnp.take(user_mlp, u, axis=0), jnp.take(item_mlp, i, axis=0)], axis=1)
    h = jax.nn.relu(mlp_in @ W1.T + b1)
    x = jnp.concatenate([gmf, h], axis=1)
    out = jax.nn.sigmoid(x @ Wo.T + bo)
    return jnp.squeeze(out, axis=-1)

if __name__ == "__main__":
    import jax
    _d = setup_inputs()
    print(jax.jit(kernel)(*tuple(_d.values())))

</pallas_src>

<mosaic_0001>
#map = affine_map<(d0, d1) -> (0, 0)>
#map1 = affine_map<(d0, d1) -> (0)>
module attributes {stable_mosaic.version = 14 : i64} {
  func.func @_sc_gather(%arg0: i32, %arg1: i32, %arg2: memref<125000x128xf32, #tpu.memory_space<hbm>>, %arg3: memref<125000x128xf32, #tpu.memory_space<hbm>>, %arg4: memref<125000x128xf32, #tpu.memory_space<hbm>>, %arg5: memref<125000x128xf32, #tpu.memory_space<hbm>>, %arg6: memref<16384xi32, #tpu.memory_space<hbm>>, %arg7: memref<16384xi32, #tpu.memory_space<hbm>>, %arg8: memref<16384xi32, #tpu.memory_space<hbm>>, %arg9: memref<16384xi32, #tpu.memory_space<hbm>>, %arg10: memref<16x16384xf32, #tpu.memory_space<hbm>>, %arg11: memref<16x16384xf32, #tpu.memory_space<hbm>>, %arg12: memref<16x16384xf32, #tpu.memory_space<hbm>>, %arg13: memref<16x16384xf32, #tpu.memory_space<hbm>>, %arg14: memref<512xi32, #tpu.memory_space<vmem>>, %arg15: memref<512xi32, #tpu.memory_space<vmem>>, %arg16: memref<512xi32, #tpu.memory_space<vmem>>, %arg17: memref<512xi32, #tpu.memory_space<vmem>>, %arg18: memref<512x128xf32, #tpu.memory_space<vmem>>, %arg19: memref<4x16x512xf32, #tpu.memory_space<vmem>>, %arg20: memref<!tpu.dma_semaphore, #tpu.memory_space<semaphore_mem>>) attributes {dimension_semantics = [#tpu.dimension_semantics<core_parallel>, #tpu.dimension_semantics<subcore_parallel>], iteration_bounds = array<i64: 2, 16>, scalar_prefetch = 0 : i64, scratch_operands = 7 : i64, tpu.core_type = #tpu.core_type<sc_vector_subcore>, window_params = [{transform_indices = #map}, {transform_indices = #map}, {transform_indices = #map}, {transform_indices = #map}, {transform_indices = #map1}, {transform_indices = #map1}, {transform_indices = #map1}, {transform_indices = #map1}, {transform_indices = #map}, {transform_indices = #map}, {transform_indices = #map}, {transform_indices = #map}]} {
    %mul3A = arith.constant 2 : i32
    %mul3A_0 = arith.muli %arg1, %mul3A : i32
    %add3A = arith.addi %mul3A_0, %arg0 : i32
    %mul3A_1 = arith.constant 512 : i32
    %mul3A_2 = arith.muli %add3A, %mul3A_1 : i32
    "tpu.region"() ({
      %run_scoped3A_55 = tpu.sem_alloc : memref<!tpu.dma_semaphore, #tpu.memory_space<semaphore_mem>>
      %dma_start3A_56 = tpu.memref_slice %arg6[%mul3A_2] : memref<16384xi32, #tpu.memory_space<hbm>> -> memref<512xi32, #tpu.memory_space<hbm>>
      %dma_start3A_57 = tpu.memref_slice %arg6[%mul3A_2] : memref<16384xi32, #tpu.memory_space<hbm>> -> memref<512xi32, #tpu.memory_space<hbm>>
      tpu.enqueue_dma source(%dma_start3A_57 : memref<512xi32, #tpu.memory_space<hbm>>) target(%arg14 : memref<512xi32, #tpu.memory_space<vmem>>) target_semaphore(%run_scoped3A_55 : memref<!tpu.dma_semaphore, #tpu.memory_space<semaphore_mem>>)
      %dma_wait3A_58 = tpu.memref_slice %arg6[%mul3A_2] : memref<16384xi32, #tpu.memory_space<hbm>> -> memref<512xi32, #tpu.memory_space<hbm>>
      %dma_wait3A_59 = tpu.memref_slice %arg6[%mul3A_2] : memref<16384xi32, #tpu.memory_space<hbm>> -> memref<512xi32, #tpu.memory_space<hbm>>
      tpu.wait_dma2 semaphore(%run_scoped3A_55 : memref<!tpu.dma_semaphore, #tpu.memory_space<semaphore_mem>>) src(%dma_wait3A_59 : memref<512xi32, #tpu.memory_space<hbm>>) dst(%arg14 : memref<512xi32, #tpu.memory_space<vmem>>)
      tpu.yield
    }) : () -> ()
    "tpu.region"() ({
      %run_scoped3A_55 = tpu.sem_alloc : memref<!tpu.dma_semaphore, #tpu.memory_space<semaphore_mem>>
      %dma_start3A_56 = tpu.memref_slice %arg7[%mul3A_2] : memref<16384xi32, #tpu.memory_space<hbm>> -> memref<512xi32, #tpu.memory_space<hbm>>
      %dma_start3A_57 = tpu.memref_slice %arg7[%mul3A_2] : memref<16384xi32, #tpu.memory_space<hbm>> -> memref<512xi32, #tpu.memory_space<hbm>>
      tpu.enqueue_dma source(%dma_start3A_57 : memref<512xi32, #tpu.memory_space<hbm>>) target(%arg15 : memref<512xi32, #tpu.memory_space<vmem>>) target_semaphore(%run_scoped3A_55 : memref<!tpu.dma_semaphore, #tpu.memory_space<semaphore_mem>>)
      %dma_wait3A_58 = tpu.memref_slice %arg7[%mul3A_2] : memref<16384xi32, #tpu.memory_space<hbm>> -> memref<512xi32, #tpu.memory_space<hbm>>
      %dma_wait3A_59 = tpu.memref_slice %arg7[%mul3A_2] : memref<16384xi32, #tpu.memory_space<hbm>> -> memref<512xi32, #tpu.memory_space<hbm>>
      tpu.wait_dma2 semaphore(%run_scoped3A_55 : memref<!tpu.dma_semaphore, #tpu.memory_space<semaphore_mem>>) src(%dma_wait3A_59 : memref<512xi32, #tpu.memory_space<hbm>>) dst(%arg15 : memref<512xi32, #tpu.memory_space<vmem>>)
      tpu.yield
    }) : () -> ()
    "tpu.region"() ({
      %run_scoped3A_55 = tpu.sem_alloc : memref<!tpu.dma_semaphore, #tpu.memory_space<semaphore_mem>>
      %dma_start3A_56 = tpu.memref_slice %arg8[%mul3A_2] : memref<16384xi32, #tpu.memory_space<hbm>> -> memref<512xi32, #tpu.memory_space<hbm>>
      %dma_start3A_57 = tpu.memref_slice %arg8[%mul3A_2] : memref<16384xi32, #tpu.memory_space<hbm>> -> memref<512xi32, #tpu.memory_space<hbm>>
      tpu.enqueue_dma source(%dma_start3A_57 : memref<512xi32, #tpu.memory_space<hbm>>) target(%arg16 : memref<512xi32, #tpu.memory_space<vmem>>) target_semaphore(%run_scoped3A_55 : memref<!tpu.dma_semaphore, #tpu.memory_space<semaphore_mem>>)
      %dma_wait3A_58 = tpu.memref_slice %arg8[%mul3A_2] : memref<16384xi32, #tpu.memory_space<hbm>> -> memref<512xi32, #tpu.memory_space<hbm>>
      %dma_wait3A_59 = tpu.memref_slice %arg8[%mul3A_2] : memref<16384xi32, #tpu.memory_space<hbm>> -> memref<512xi32, #tpu.memory_space<hbm>>
      tpu.wait_dma2 semaphore(%run_scoped3A_55 : memref<!tpu.dma_semaphore, #tpu.memory_space<semaphore_mem>>) src(%dma_wait3A_59 : memref<512xi32, #tpu.memory_space<hbm>>) dst(%arg16 : memref<512xi32, #tpu.memory_space<vmem>>)
      tpu.yield
    }) : () -> ()
    "tpu.region"() ({
      %run_scoped3A_55 = tpu.sem_alloc : memref<!tpu.dma_semaphore, #tpu.memory_space<semaphore_mem>>
      %dma_start3A_56 = tpu.memref_slice %arg9[%mul3A_2] : memref<16384xi32, #tpu.memory_space<hbm>> -> memref<512xi32, #tpu.memory_space<hbm>>
      %dma_start3A_57 = tpu.memref_slice %arg9[%mul3A_2] : memref<16384xi32, #tpu.memory_space<hbm>> -> memref<512xi32, #tpu.memory_space<hbm>>
      tpu.enqueue_dma source(%dma_start3A_57 : memref<512xi32, #tpu.memory_space<hbm>>) target(%arg17 : memref<512xi32, #tpu.memory_space<vmem>>) target_semaphore(%run_scoped3A_55 : memref<!tpu.dma_semaphore, #tpu.memory_space<semaphore_mem>>)
      %dma_wait3A_58 = tpu.memref_slice %arg9[%mul3A_2] : memref<16384xi32, #tpu.memory_space<hbm>> -> memref<512xi32, #tpu.memory_space<hbm>>
      %dma_wait3A_59 = tpu.memref_slice %arg9[%mul3A_2] : memref<16384xi32, #tpu.memory_space<hbm>> -> memref<512xi32, #tpu.memory_space<hbm>>
      tpu.wait_dma2 semaphore(%run_scoped3A_55 : memref<!tpu.dma_semaphore, #tpu.memory_space<semaphore_mem>>) src(%dma_wait3A_59 : memref<512xi32, #tpu.memory_space<hbm>>) dst(%arg17 : memref<512xi32, #tpu.memory_space<vmem>>)
      tpu.yield
    }) : () -> ()
    %iota3A = tpu.iota {dimensions = array<i32: 0>} : vector<16xi32>
    %dma_start3A = arith.constant 0 : i32
    %dma_start3A_3 = arith.constant 0 : i32
    %dma_start3A_4 = tpu.memref_slice %arg2[%dma_start3A, %dma_start3A_3] : memref<125000x128xf32, #tpu.memory_space<hbm>> -> memref<125000x128xf32, #tpu.memory_space<hbm>>
    tpu.enqueue_indirect_dma source(%dma_start3A_4 : memref<125000x128xf32, #tpu.memory_space<hbm>>) target(%arg18 : memref<512x128xf32, #tpu.memory_space<vmem>>) offsets(%arg14 : memref<512xi32, #tpu.memory_space<vmem>>) semaphore(%arg20 : memref<!tpu.dma_semaphore, #tpu.memory_space<semaphore_mem>>)
    %dma_wait3A = arith.constant 0 : i32
    %dma_wait3A_5 = arith.constant 0 : i32
    %dma_wait3A_6 = tpu.memref_slice %arg2[%dma_wait3A, %dma_wait3A_5] : memref<125000x128xf32, #tpu.memory_space<hbm>> -> memref<125000x128xf32, #tpu.memory_space<hbm>>
    tpu.wait_indirect_dma semaphore(%arg20 : memref<!tpu.dma_semaphore, #tpu.memory_space<semaphore_mem>>) src(%dma_wait3A_6 : memref<125000x128xf32, #tpu.memory_space<hbm>>) dst(%arg18 : memref<512x128xf32, #tpu.memory_space<vmem>>)
    %scan3A = arith.constant 0 : i32
    %scan3A_7 = arith.constant 0 : i32
    %scan3A_8 = arith.constant 32 : i32
    %scan3A_9 = arith.addi %scan3A_7, %scan3A_8 : i32
    %scan3A_10 = arith.constant 1 : i32
    %scan3A_11 = scf.for %scan3A_55 = %scan3A_7 to %scan3A_9 step %scan3A_10 iter_args(%scan3A_56 = %scan3A) -> (i32)  : i32 {
      %mul3A_57 = arith.constant 16 : i32
      %mul3A_58 = arith.muli %scan3A_55, %mul3A_57 : i32
      %add3A_59 = vector.broadcast %mul3A_58 : i32 to vector<16xi32>
      %add3A_60 = arith.addi %add3A_59, %iota3A : vector<16xi32>
      %mul3A_61 = arith.constant 16 : i32
      %mul3A_62 = arith.muli %scan3A_55, %mul3A_61 : i32
      %get3A = arith.index_cast %mul3A_62 : i32 to index
      %get3A_63 = tpu.vector_load %arg16[%get3A] {strides = array<i32>} : memref<512xi32, #tpu.memory_space<vmem>>, vector<16xi32>,
      %add3A_64 = arith.constant 0 : i32
      %add3A_65 = vector.broadcast %add3A_64 : i32 to vector<16xi32>
      %add3A_66 = arith.addi %get3A_63, %add3A_65 : vector<16xi32>
      %gather3A = tpu.vector_load_idx %arg18[%add3A_60, %add3A_66] : memref<512x128xf32, #tpu.memory_space<vmem>>[vector<16xi32>, vector<16xi32>], vector<16xf32>,
      %mul3A_67 = arith.constant 16 : i32
      %mul3A_68 = arith.muli %scan3A_55, %mul3A_67 : i32
      %swap3A = arith.constant 0 : i32
      %swap3A_69 = arith.constant 0 : i32
      %swap3A_70 = arith.index_cast %swap3A : i32 to index
      %swap3A_71 = arith.index_cast %swap3A_69 : i32 to index
      %swap3A_72 = arith.index_cast %mul3A_68 : i32 to index
      %swap3A_73 = tpu.vector_load %arg19[%swap3A_70, %swap3A_71, %swap3A_72] {strides = array<i32>} : memref<4x16x512xf32, #tpu.memory_space<vmem>>, vector<16xf32>,
      tpu.vector_store %arg19[%swap3A_70, %swap3A_71, %swap3A_72], %gather3A {strides = array<i32>} : memref<4x16x512xf32, #tpu.memory_space<vmem>>, vector<16xf32>,
      %add3A_74 = arith.constant 1 : i32
      %add3A_75 = vector.broadcast %add3A_74 : i32 to vector<16xi32>
      %add3A_76 = arith.addi %get3A_63, %add3A_75 : vector<16xi32>
      %gather3A_77 = tpu.vector_load_idx %arg18[%add3A_60, %add3A_76] : memref<512x128xf32, #tpu.memory_space<vmem>>[vector<16xi32>, vector<16xi32>], vector<16xf32>,
      %mul3A_78 = arith.constant 16 : i32
      %mul3A_79 = arith.muli %scan3A_55, %mul3A_78 : i32
      %swap3A_80 = arith.constant 0 : i32
      %swap3A_81 = arith.constant 1 : i32
      %swap3A_82 = arith.index_cast %swap3A_80 : i32 to index
      %swap3A_83 = arith.index_cast %swap3A_81 : i32 to index
      %swap3A_84 = arith.index_cast %mul3A_79 : i32 to index
      %swap3A_85 = tpu.vector_load %arg19[%swap3A_82, %swap3A_83, %swap3A_84] {strides = array<i32>} : memref<4x16x512xf32, #tpu.memory_space<vmem>>, vector<16xf32>,
      tpu.vector_store %arg19[%swap3A_82, %swap3A_83, %swap3A_84], %gather3A_77 {strides = array<i32>} : memref<4x16x512xf32, #tpu.memory_space<vmem>>, vector<16xf32>,
      %add3A_86 = arith.constant 2 : i32
      %add3A_87 = vector.broadcast %add3A_86 : i32 to vector<16xi32>
      %add3A_88 = arith.addi %get3A_63, %add3A_87 : vector<16xi32>
      %gather3A_89 = tpu.vector_load_idx %arg18[%add3A_60, %add3A_88] : memref<512x128xf32, #tpu.memory_space<vmem>>[vector<16xi32>, vector<16xi32>], vector<16xf32>,
      %mul3A_90 = arith.constant 16 : i32
      %mul3A_91 = arith.muli %scan3A_55, %mul3A_90 : i32
      %swap3A_92 = arith.constant 0 : i32
      %swap3A_93 = arith.constant 2 : i32
      %swap3A_94 = arith.index_cast %swap3A_92 : i32 to index
      %swap3A_95 = arith.index_cast %swap3A_93 : i32 to index
      %swap3A_96 = arith.index_cast %mul3A_91 : i32 to index
      %swap3A_97 = tpu.vector_load %arg19[%swap3A_94, %swap3A_95, %swap3A_96] {strides = array<i32>} : memref<4x16x512xf32, #tpu.memory_space<vmem>>, vector<16xf32>,
      tpu.vector_store %arg19[%swap3A_94, %swap3A_95, %swap3A_96], %gather3A_89 {strides = array<i32>} : memref<4x16x512xf32, #tpu.memory_space<vmem>>, vector<16xf32>,
      %add3A_98 = arith.constant 3 : i32
      %add3A_99 = vector.broadcast %add3A_98 : i32 to vector<16xi32>
      %add3A_100 = arith.addi %get3A_63, %add3A_99 : vector<16xi32>
      %gather3A_101 = tpu.vector_load_idx %arg18[%add3A_60, %add3A_100] : memref<512x128xf32, #tpu.memory_space<vmem>>[vector<16xi32>, vector<16xi32>], vector<16xf32>,
      %mul3A_102 = arith.constant 16 : i32
      %mul3A_103 = arith.muli %scan3A_55, %mul3A_102 : i32
      %swap3A_104 = arith.constant 0 : i32
      %swap3A_105 = arith.constant 3 : i32
      %swap3A_106 = arith.index_cast %swap3A_104 : i32 to index
      %swap3A_107 = arith.index_cast %swap3A_105 : i32 to index
      %swap3A_108 = arith.index_cast %mul3A_103 : i32 to index
      %swap3A_109 = tpu.vector_load %arg19[%swap3A_106, %swap3A_107, %swap3A_108] {strides = array<i32>} : memref<4x16x512xf32, #tpu.memory_space<vmem>>, vector<16xf32>,
      tpu.vector_store %arg19[%swap3A_106, %swap3A_107, %swap3A_108], %gather3A_101 {strides = array<i32>} : memref<4x16x512xf32, #tpu.memory_space<vmem>>, vector<16xf32>,
      %add3A_110 = arith.constant 4 : i32
      %add3A_111 = vector.broadcast %add3A_110 : i32 to vector<16xi32>
      %add3A_112 = arith.addi %get3A_63, %add3A_111 : vector<16xi32>
      %gather3A_113 = tpu.vector_load_idx %arg18[%add3A_60, %add3A_112] : memref<512x128xf32, #tpu.memory_space<vmem>>[vector<16xi32>, vector<16xi32>], vector<16xf32>,
      %mul3A_114 = arith.constant 16 : i32
      %mul3A_115 = arith.muli %scan3A_55, %mul3A_114 : i32
      %swap3A_116 = arith.constant 0 : i32
      %swap3A_117 = arith.constant 4 : i32
      %swap3A_118 = arith.index_cast %swap3A_116 : i32 to index
      %swap3A_119 = arith.index_cast %swap3A_117 : i32 to index
      %swap3A_120 = arith.index_cast %mul3A_115 : i32 to index
      %swap3A_121 = tpu.vector_load %arg19[%swap3A_118, %swap3A_119, %swap3A_120] {strides = array<i32>} : memref<4x16x512xf32, #tpu.memory_space<vmem>>, vector<16xf32>,
      tpu.vector_store %arg19[%swap3A_118, %swap3A_119, %swap3A_120], %gather3A_113 {strides = array<i32>} : memref<4x16x512xf32, #tpu.memory_space<vmem>>, vector<16xf32>,
      %add3A_122 = arith.constant 5 : i32
      %add3A_123 = vector.broadcast %add3A_122 : i32 to vector<16xi32>
      %add3A_124 = arith.addi %get3A_63, %add3A_123 : vector<16xi32>
      %gather3A_125 = tpu.vector_load_idx %arg18[%add3A_60, %add3A_124] : memref<512x128xf32, #tpu.memory_space<vmem>>[vector<16xi32>, vector<16xi32>], vector<16xf32>,
      %mul3A_126 = arith.constant 16 : i32
      %mul3A_127 = arith.muli %scan3A_55, %mul3A_126 : i32
      %swap3A_128 = arith.constant 0 : i32
      %swap3A_129 = arith.constant 5 : i32
      %swap3A_130 = arith.index_cast %swap3A_128 : i32 to index
      %swap3A_131 = arith.index_cast %swap3A_129 : i32 to index
      %swap3A_132 = arith.index_cast %mul3A_127 : i32 to index
      %swap3A_133 = tpu.vector_load %arg19[%swap3A_130, %swap3A_131, %swap3A_132] {strides = array<i32>} : memref<4x16x512xf32, #tpu.memory_space<vmem>>, vector<16xf32>,
      tpu.vector_store %arg19[%swap3A_130, %swap3A_131, %swap3A_132], %gather3A_125 {strides = array<i32>} : memref<4x16x512xf32, #tpu.memory_space<vmem>>, vector<16xf32>,
      %add3A_134 = arith.constant 6 : i32
      %add3A_135 = vector.broadcast %add3A_134 : i32 to vector<16xi32>
      %add3A_136 = arith.addi %get3A_63, %add3A_135 : vector<16xi32>
      %gather3A_137 = tpu.vector_load_idx %arg18[%add3A_60, %add3A_136] : memref<512x128xf32, #tpu.memory_space<vmem>>[vector<16xi32>, vector<16xi32>], vector<16xf32>,
      %mul3A_138 = arith.constant 16 : i32
      %mul3A_139 = arith.muli %scan3A_55, %mul3A_138 : i32
      %swap3A_140 = arith.constant 0 : i32
      %swap3A_141 = arith.constant 6 : i32
      %swap3A_142 = arith.index_cast %swap3A_140 : i32 to index
      %swap3A_143 = arith.index_cast %swap3A_141 : i32 to index
      %swap3A_144 = arith.index_cast %mul3A_139 : i32 to index
      %swap3A_145 = tpu.vector_load %arg19[%swap3A_142, %swap3A_143, %swap3A_144] {strides = array<i32>} : memref<4x16x512xf32, #tpu.memory_space<vmem>>, vector<16xf32>,
      tpu.vector_store %arg19[%swap3A_142, %swap3A_143, %swap3A_144], %gather3A_137 {strides = array<i32>} : memref<4x16x512xf32, #tpu.memory_space<vmem>>, vector<16xf32>,
      %add3A_146 = arith.constant 7 : i32
      %add3A_147 = vector.broadcast %add3A_146 : i32 to vector<16xi32>
      %add3A_148 = arith.addi %get3A_63, %add3A_147 : vector<16xi32>
      %gather3A_149 = tpu.vector_load_idx %arg18[%add3A_60, %add3A_148] : memref<512x128xf32, #tpu.memory_space<vmem>>[vector<16xi32>, vector<16xi32>], vector<16xf32>,
      %mul3A_150 = arith.constant 16 : i32
      %mul3A_151 = arith.muli %scan3A_55, %mul3A_150 : i32
      %swap3A_152 = arith.constant 0 : i32
      %swap3A_153 = arith.constant 7 : i32
      %swap3A_154 = arith.index_cast %swap3A_152 : i32 to index
      %swap3A_155 = arith.index_cast %swap3A_153 : i32 to index
      %swap3A_156 = arith.index_cast %mul3A_151 : i32 to index
      %swap3A_157 = tpu.vector_load %arg19[%swap3A_154, %swap3A_155, %swap3A_156] {strides = array<i32>} : memref<4x16x512xf32, #tpu.memory_space<vmem>>, vector<16xf32>,
      tpu.vector_store %arg19[%swap3A_154, %swap3A_155, %swap3A_156], %gather3A_149 {strides = array<i32>} : memref<4x16x512xf32, #tpu.memory_space<vmem>>, vector<16xf32>,
      %add3A_158 = arith.constant 8 : i32
      %add3A_159 = vector.broadcast %add3A_158 : i32 to vector<16xi32>
      %add3A_160 = arith.addi %get3A_63, %add3A_159 : vector<16xi32>
      %gather3A_161 = tpu.vector_load_idx %arg18[%add3A_60, %add3A_160] : memref<512x128xf32, #tpu.memory_space<vmem>>[vector<16xi32>, vector<16xi32>], vector<16xf32>,
      %mul3A_162 = arith.constant 16 : i32
      %mul3A_163 = arith.muli %scan3A_55, %mul3A_162 : i32
      %swap3A_164 = arith.constant 0 : i32
      %swap3A_165 = arith.constant 8 : i32
      %swap3A_166 = arith.index_cast %swap3A_164 : i32 to index
      %swap3A_167 = arith.index_cast %swap3A_165 : i32 to index
      %swap3A_168 = arith.index_cast %mul3A_163 : i32 to index
      %swap3A_169 = tpu.vector_load %arg19[%swap3A_166, %swap3A_167, %swap3A_168] {strides = array<i32>} : memref<4x16x512xf32, #tpu.memory_space<vmem>>, vector<16xf32>,
      tpu.vector_store %arg19[%swap3A_166, %swap3A_167, %swap3A_168], %gather3A_161 {strides = array<i32>} : memref<4x16x512xf32, #tpu.memory_space<vmem>>, vector<16xf32>,
      %add3A_170 = arith.constant 9 : i32
      %add3A_171 = vector.broadcast %add3A_170 : i32 to vector<16xi32>
      %add3A_172 = arith.addi %get3A_63, %add3A_171 : vector<16xi32>
      %gather3A_173 = tpu.vector_load_idx %arg18[%add3A_60, %add3A_172] : memref<512x128xf32, #tpu.memory_space<vmem>>[vector<16xi32>, vector<16xi32>], vector<16xf32>,
      %mul3A_174 = arith.constant 16 : i32
      %mul3A_175 = arith.muli %scan3A_55, %mul3A_174 : i32
      %swap3A_176 = arith.constant 0 : i32
      %swap3A_177 = arith.constant 9 : i32
      %swap3A_178 = arith.index_cast %swap3A_176 : i32 to index
      %swap3A_179 = arith.index_cast %swap3A_177 : i32 to index
      %swap3A_180 = arith.index_cast %mul3A_175 : i32 to index
      %swap3A_181 = tpu.vector_load %arg19[%swap3A_178, %swap3A_179, %swap3A_180] {strides = array<i32>} : memref<4x16x512xf32, #tpu.memory_space<vmem>>, vector<16xf32>,
      tpu.vector_store %arg19[%swap3A_178, %swap3A_179, %swap3A_180], %gather3A_173 {strides = array<i32>} : memref<4x16x512xf32, #tpu.memory_space<vmem>>, vector<16xf32>,
      %add3A_182 = arith.constant 10 : i32
      %add3A_183 = vector.broadcast %add3A_182 : i32 to vector<16xi32>
      %add3A_184 = arith.addi %get3A_63, %add3A_183 : vector<16xi32>
      %gather3A_185 = tpu.vector_load_idx %arg18[%add3A_60, %add3A_184] : memref<512x128xf32, #tpu.memory_space<vmem>>[vector<16xi32>, vector<16xi32>], vector<16xf32>,
      %mul3A_186 = arith.constant 16 : i32
      %mul3A_187 = arith.muli %scan3A_55, %mul3A_186 : i32
      %swap3A_188 = arith.constant 0 : i32
      %swap3A_189 = arith.constant 10 : i32
      %swap3A_190 = arith.index_cast %swap3A_188 : i32 to index
      %swap3A_191 = arith.index_cast %swap3A_189 : i32 to index
      %swap3A_192 = arith.index_cast %mul3A_187 : i32 to index
      %swap3A_193 = tpu.vector_load %arg19[%swap3A_190, %swap3A_191, %swap3A_192] {strides = array<i32>} : memref<4x16x512xf32, #tpu.memory_space<vmem>>, vector<16xf32>,
      tpu.vector_store %arg19[%swap3A_190, %swap3A_191, %swap3A_192], %gather3A_185 {strides = array<i32>} : memref<4x16x512xf32, #tpu.memory_space<vmem>>, vector<16xf32>,
      %add3A_194 = arith.constant 11 : i32
      %add3A_195 = vector.broadcast %add3A_194 : i32 to vector<16xi32>
      %add3A_196 = arith.addi %get3A_63, %add3A_195 : vector<16xi32>
      %gather3A_197 = tpu.vector_load_idx %arg18[%add3A_60, %add3A_196] : memref<512x128xf32, #tpu.memory_space<vmem>>[vector<16xi32>, vector<16xi32>], vector<16xf32>,
      %mul3A_198 = arith.constant 16 : i32
      %mul3A_199 = arith.muli %scan3A_55, %mul3A_198 : i32
      %swap3A_200 = arith.constant 0 : i32
      %swap3A_201 = arith.constant 11 : i32
      %swap3A_202 = arith.index_cast %swap3A_200 : i32 to index
      %swap3A_203 = arith.index_cast %swap3A_201 : i32 to index
      %swap3A_204 = arith.index_cast %mul3A_199 : i32 to index
      %swap3A_205 = tpu.vector_load %arg19[%swap3A_202, %swap3A_203, %swap3A_204] {strides = array<i32>} : memref<4x16x512xf32, #tpu.memory_space<vmem>>, vector<16xf32>,
      tpu.vector_store %arg19[%swap3A_202, %swap3A_203, %swap3A_204], %gather3A_197 {strides = array<i32>} : memref<4x16x512xf32, #tpu.memory_space<vmem>>, vector<16xf32>,
      %add3A_206 = arith.constant 12 : i32
      %add3A_207 = vector.broadcast %add3A_206 : i32 to vector<16xi32>
      %add3A_208 = arith.addi %get3A_63, %add3A_207 : vector<16xi32>
      %gather3A_209 = tpu.vector_load_idx %arg18[%add3A_60, %add3A_208] : memref<512x128xf32, #tpu.memory_space<vmem>>[vector<16xi32>, vector<16xi32>], vector<16xf32>,
      %mul3A_210 = arith.constant 16 : i32
      %mul3A_211 = arith.muli %scan3A_55, %mul3A_210 : i32
      %swap3A_212 = arith.constant 0 : i32
      %swap3A_213 = arith.constant 12 : i32
      %swap3A_214 = arith.index_cast %swap3A_212 : i32 to index
      %swap3A_215 = arith.index_cast %swap3A_213 : i32 to index
      %swap3A_216 = arith.index_cast %mul3A_211 : i32 to index
      %swap3A_217 = tpu.vector_load %arg19[%swap3A_214, %swap3A_215, %swap3A_216] {strides = array<i32>} : memref<4x16x512xf32, #tpu.memory_space<vmem>>, vector<16xf32>,
      tpu.vector_store %arg19[%swap3A_214, %swap3A_215, %swap3A_216], %gather3A_209 {strides = array<i32>} : memref<4x16x512xf32, #tpu.memory_space<vmem>>, vector<16xf32>,
      %add3A_218 = arith.constant 13 : i32
      %add3A_219 = vector.broadcast %add3A_218 : i32 to vector<16xi32>
      %add3A_220 = arith.addi %get3A_63, %add3A_219 : vector<16xi32>
      %gather3A_221 = tpu.vector_load_idx %arg18[%add3A_60, %add3A_220] : memref<512x128xf32, #tpu.memory_space<vmem>>[vector<16xi32>, vector<16xi32>], vector<16xf32>,
      %mul3A_222 = arith.constant 16 : i32
      %mul3A_223 = arith.muli %scan3A_55, %mul3A_222 : i32
      %swap3A_224 = arith.constant 0 : i32
      %swap3A_225 = arith.constant 13 : i32
      %swap3A_226 = arith.index_cast %swap3A_224 : i32 to index
      %swap3A_227 = arith.index_cast %swap3A_225 : i32 to index
      %swap3A_228 = arith.index_cast %mul3A_223 : i32 to index
      %swap3A_229 = tpu.vector_load %arg19[%swap3A_226, %swap3A_227, %swap3A_228] {strides = array<i32>} : memref<4x16x512xf32, #tpu.memory_space<vmem>>, vector<16xf32>,
      tpu.vector_store %arg19[%swap3A_226, %swap3A_227, %swap3A_228], %gather3A_221 {strides = array<i32>} : memref<4x16x512xf32, #tpu.memory_space<vmem>>, vector<16xf32>,
      %add3A_230 = arith.constant 14 : i32
      %add3A_231 = vector.broadcast %add3A_230 : i32 to vector<16xi32>
      %add3A_232 = arith.addi %get3A_63, %add3A_231 : vector<16xi32>
      %gather3A_233 = tpu.vector_load_idx %arg18[%add3A_60, %add3A_232] : memref<512x128xf32, #tpu.memory_space<vmem>>[vector<16xi32>, vector<16xi32>], vector<16xf32>,
      %mul3A_234 = arith.constant 16 : i32
      %mul3A_235 = arith.muli %scan3A_55, %mul3A_234 : i32
      %swap3A_236 = arith.constant 0 : i32
      %swap3A_237 = arith.constant 14 : i32
      %swap3A_238 = arith.index_cast %swap3A_236 : i32 to index
      %swap3A_239 = arith.index_cast %swap3A_237 : i32 to index
      %swap3A_240 = arith.index_cast %mul3A_235 : i32 to index
      %swap3A_241 = tpu.vector_load %arg19[%swap3A_238, %swap3A_239, %swap3A_240] {strides = array<i32>} : memref<4x16x512xf32, #tpu.memory_space<vmem>>, vector<16xf32>,
      tpu.vector_store %arg19[%swap3A_238, %swap3A_239, %swap3A_240], %gather3A_233 {strides = array<i32>} : memref<4x16x512xf32, #tpu.memory_space<vmem>>, vector<16xf32>,
      %add3A_242 = arith.constant 15 : i32
      %add3A_243 = vector.broadcast %add3A_242 : i32 to vector<16xi32>
      %add3A_244 = arith.addi %get3A_63, %add3A_243 : vector<16xi32>
      %gather3A_245 = tpu.vector_load_idx %arg18[%add3A_60, %add3A_244] : memref<512x128xf32, #tpu.memory_space<vmem>>[vector<16xi32>, vector<16xi32>], vector<16xf32>,
      %mul3A_246 = arith.constant 16 : i32
      %mul3A_247 = arith.muli %scan3A_55, %mul3A_246 : i32
      %swap3A_248 = arith.constant 0 : i32
      %swap3A_249 = arith.constant 15 : i32
      %swap3A_250 = arith.index_cast %swap3A_248 : i32 to index
      %swap3A_251 = arith.index_cast %swap3A_249 : i32 to index
      %swap3A_252 = arith.index_cast %mul3A_247 : i32 to index
      %swap3A_253 = tpu.vector_load %arg19[%swap3A_250, %swap3A_251, %swap3A_252] {strides = array<i32>} : memref<4x16x512xf32, #tpu.memory_space<vmem>>, vector<16xf32>,
      tpu.vector_store %arg19[%swap3A_250, %swap3A_251, %swap3A_252], %gather3A_245 {strides = array<i32>} : memref<4x16x512xf32, #tpu.memory_space<vmem>>, vector<16xf32>,
      %scan3A_254 = arith.constant 0 : i32
      scf.yield %scan3A_254 : i32
    }
    %scan3A_12 = arith.constant 32 : i32
    %dma_start3A_13 = arith.constant 0 : i32
    %dma_start3A_14 = arith.constant 0 : i32
    %dma_start3A_15 = tpu.memref_slice %arg3[%dma_start3A_13, %dma_start3A_14] : memref<125000x128xf32, #tpu.memory_space<hbm>> -> memref<125000x128xf32, #tpu.memory_space<hbm>>
    tpu.enqueue_indirect_dma source(%dma_start3A_15 : memref<125000x128xf32, #tpu.memory_space<hbm>>) target(%arg18 : memref<512x128xf32, #tpu.memory_space<vmem>>) offsets(%arg15 : memref<512xi32, #tpu.memory_space<vmem>>) semaphore(%arg20 : memref<!tpu.dma_semaphore, #tpu.memory_space<semaphore_mem>>)
    %dma_wait3A_16 = arith.constant 0 : i32
    %dma_wait3A_17 = arith.constant 0 : i32
    %dma_wait3A_18 = tpu.memref_slice %arg3[%dma_wait3A_16, %dma_wait3A_17] : memref<125000x128xf32, #tpu.memory_space<hbm>> -> memref<125000x128xf32, #tpu.memory_space<hbm>>
    tpu.wait_indirect_dma semaphore(%arg20 : memref<!tpu.dma_semaphore, #tpu.memory_space<semaphore_mem>>) src(%dma_wait3A_18 : memref<125000x128xf32, #tpu.memory_space<hbm>>) dst(%arg18 : memref<512x128xf32, #tpu.memory_space<vmem>>)
    %scan3A_19 = arith.constant 0 : i32
    %scan3A_20 = arith.constant 0 : i32
    %scan3A_21 = arith.constant 32 : i32
    %scan3A_22 = arith.addi %scan3A_20, %scan3A_21 : i32
    %scan3A_23 = arith.constant 1 : i32
    %scan3A_24 = scf.for %scan3A_55 = %scan3A_20 to %scan3A_22 step %scan3A_23 iter_args(%scan3A_56 = %scan3A_19) -> (i32)  : i32 {
      %mul3A_57 = arith.constant 16 : i32
      %mul3A_58 = arith.muli %scan3A_55, %mul3A_57 : i32
      %add3A_59 = vector.broadcast %mul3A_58 : i32 to vector<16xi32>
      %add3A_60 = arith.addi %add3A_59, %iota3A : vector<16xi32>
      %mul3A_61 = arith.constant 16 : i32
      %mul3A_62 = arith.muli %scan3A_55, %mul3A_61 : i32
      %get3A = arith.index_cast %mul3A_62 : i32 to index
      %get3A_63 = tpu.vector_load %arg17[%get3A] {strides = array<i32>} : memref<512xi32, #tpu.memory_space<vmem>>, vector<16xi32>,
      %add3A_64 = arith.constant 0 : i32
      %add3A_65 = vector.broadcast %add3A_64 : i32 to vector<16xi32>
      %add3A_66 = arith.addi %get3A_63, %add3A_65 : vector<16xi32>
      %gather3A = tpu.vector_load_idx %arg18[%add3A_60, %add3A_66] : memref<512x128xf32, #tpu.memory_space<vmem>>[vector<16xi32>, vector<16xi32>], vector<16xf32>,
      %mul3A_67 = arith.constant 16 : i32
      %mul3A_68 = arith.muli %scan3A_55, %mul3A_67 : i32
      %swap3A = arith.constant 1 : i32
      %swap3A_69 = arith.constant 0 : i32
      %swap3A_70 = arith.index_cast %swap3A : i32 to index
      %swap3A_71 = arith.index_cast %swap3A_69 : i32 to index
      %swap3A_72 = arith.index_cast %mul3A_68 : i32 to index
      %swap3A_73 = tpu.vector_load %arg19[%swap3A_70, %swap3A_71, %swap3A_72] {strides = array<i32>} : memref<4x16x512xf32, #tpu.memory_space<vmem>>, vector<16xf32>,
      tpu.vector_store %arg19[%swap3A_70, %swap3A_71, %swap3A_72], %gather3A {strides = array<i32>} : memref<4x16x512xf32, #tpu.memory_space<vmem>>, vector<16xf32>,
      %add3A_74 = arith.constant 1 : i32
      %add3A_75 = vector.broadcast %add3A_74 : i32 to vector<16xi32>
      %add3A_76 = arith.addi %get3A_63, %add3A_75 : vector<16xi32>
      %gather3A_77 = tpu.vector_load_idx %arg18[%add3A_60, %add3A_76] : memref<512x128xf32, #tpu.memory_space<vmem>>[vector<16xi32>, vector<16xi32>], vector<16xf32>,
      %mul3A_78 = arith.constant 16 : i32
      %mul3A_79 = arith.muli %scan3A_55, %mul3A_78 : i32
      %swap3A_80 = arith.constant 1 : i32
      %swap3A_81 = arith.constant 1 : i32
      %swap3A_82 = arith.index_cast %swap3A_80 : i32 to index
      %swap3A_83 = arith.index_cast %swap3A_81 : i32 to index
      %swap3A_84 = arith.index_cast %mul3A_79 : i32 to index
      %swap3A_85 = tpu.vector_load %arg19[%swap3A_82, %swap3A_83, %swap3A_84] {strides = array<i32>} : memref<4x16x512xf32, #tpu.memory_space<vmem>>, vector<16xf32>,
      tpu.vector_store %arg19[%swap3A_82, %swap3A_83, %swap3A_84], %gather3A_77 {strides = array<i32>} : memref<4x16x512xf32, #tpu.memory_space<vmem>>, vector<16xf32>,
      %add3A_86 = arith.constant 2 : i32
      %add3A_87 = vector.broadcast %add3A_86 : i32 to vector<16xi32>
      %add3A_88 = arith.addi %get3A_63, %add3A_87 : vector<16xi32>
      %gather3A_89 = tpu.vector_load_idx %arg18[%add3A_60, %add3A_88] : memref<512x128xf32, #tpu.memory_space<vmem>>[vector<16xi32>, vector<16xi32>], vector<16xf32>,
      %mul3A_90 = arith.constant 16 : i32
      %mul3A_91 = arith.muli %scan3A_55, %mul3A_90 : i32
      %swap3A_92 = arith.constant 1 : i32
      %swap3A_93 = arith.constant 2 : i32
      %swap3A_94 = arith.index_cast %swap3A_92 : i32 to index
      %swap3A_95 = arith.index_cast %swap3A_93 : i32 to index
      %swap3A_96 = arith.index_cast %mul3A_91 : i32 to index
      %swap3A_97 = tpu.vector_load %arg19[%swap3A_94, %swap3A_95, %swap3A_96] {strides = array<i32>} : memref<4x16x512xf32, #tpu.memory_space<vmem>>, vector<16xf32>,
      tpu.vector_store %arg19[%swap3A_94, %swap3A_95, %swap3A_96], %gather3A_89 {strides = array<i32>} : memref<4x16x512xf32, #tpu.memory_space<vmem>>, vector<16xf32>,
      %add3A_98 = arith.constant 3 : i32
      %add3A_99 = vector.broadcast %add3A_98 : i32 to vector<16xi32>
      %add3A_100 = arith.addi %get3A_63, %add3A_99 : vector<16xi32>
      %gather3A_101 = tpu.vector_load_idx %arg18[%add3A_60, %add3A_100] : memref<512x128xf32, #tpu.memory_space<vmem>>[vector<16xi32>, vector<16xi32>], vector<16xf32>,
      %mul3A_102 = arith.constant 16 : i32
      %mul3A_103 = arith.muli %scan3A_55, %mul3A_102 : i32
      %swap3A_104 = arith.constant 1 : i32
      %swap3A_105 = arith.constant 3 : i32
      %swap3A_106 = arith.index_cast %swap3A_104 : i32 to index
      %swap3A_107 = arith.index_cast %swap3A_105 : i32 to index
      %swap3A_108 = arith.index_cast %mul3A_103 : i32 to index
      %swap3A_109 = tpu.vector_load %arg19[%swap3A_106, %swap3A_107, %swap3A_108] {strides = array<i32>} : memref<4x16x512xf32, #tpu.memory_space<vmem>>, vector<16xf32>,
      tpu.vector_store %arg19[%swap3A_106, %swap3A_107, %swap3A_108], %gather3A_101 {strides = array<i32>} : memref<4x16x512xf32, #tpu.memory_space<vmem>>, vector<16xf32>,
      %add3A_110 = arith.constant 4 : i32
      %add3A_111 = vector.broadcast %add3A_110 : i32 to vector<16xi32>
      %add3A_112 = arith.addi %get3A_63, %add3A_111 : vector<16xi32>
      %gather3A_113 = tpu.vector_load_idx %arg18[%add3A_60, %add3A_112] : memref<512x128xf32, #tpu.memory_space<vmem>>[vector<16xi32>, vector<16xi32>], vector<16xf32>,
      %mul3A_114 = arith.constant 16 : i32
      %mul3A_115 = arith.muli %scan3A_55, %mul3A_114 : i32
      %swap3A_116 = arith.constant 1 : i32
      %swap3A_117 = arith.constant 4 : i32
      %swap3A_118 = arith.index_cast %swap3A_116 : i32 to index
      %swap3A_119 = arith.index_cast %swap3A_117 : i32 to index
      %swap3A_120 = arith.index_cast %mul3A_115 : i32 to index
      %swap3A_121 = tpu.vector_load %arg19[%swap3A_118, %swap3A_119, %swap3A_120] {strides = array<i32>} : memref<4x16x512xf32, #tpu.memory_space<vmem>>, vector<16xf32>,
      tpu.vector_store %arg19[%swap3A_118, %swap3A_119, %swap3A_120], %gather3A_113 {strides = array<i32>} : memref<4x16x512xf32, #tpu.memory_space<vmem>>, vector<16xf32>,
      %add3A_122 = arith.constant 5 : i32
      %add3A_123 = vector.broadcast %add3A_122 : i32 to vector<16xi32>
      %add3A_124 = arith.addi %get3A_63, %add3A_123 : vector<16xi32>
      %gather3A_125 = tpu.vector_load_idx %arg18[%add3A_60, %add3A_124] : memref<512x128xf32, #tpu.memory_space<vmem>>[vector<16xi32>, vector<16xi32>], vector<16xf32>,
      %mul3A_126 = arith.constant 16 : i32
      %mul3A_127 = arith.muli %scan3A_55, %mul3A_126 : i32
      %swap3A_128 = arith.constant 1 : i32
      %swap3A_129 = arith.constant 5 : i32
      %swap3A_130 = arith.index_cast %swap3A_128 : i32 to index
      %swap3A_131 = arith.index_cast %swap3A_129 : i32 to index
      %swap3A_132 = arith.index_cast %mul3A_127 : i32 to index
      %swap3A_133 = tpu.vector_load %arg19[%swap3A_130, %swap3A_131, %swap3A_132] {strides = array<i32>} : memref<4x16x512xf32, #tpu.memory_space<vmem>>, vector<16xf32>,
      tpu.vector_store %arg19[%swap3A_130, %swap3A_131, %swap3A_132], %gather3A_125 {strides = array<i32>} : memref<4x16x512xf32, #tpu.memory_space<vmem>>, vector<16xf32>,
      %add3A_134 = arith.constant 6 : i32
      %add3A_135 = vector.broadcast %add3A_134 : i32 to vector<16xi32>
      %add3A_136 = arith.addi %get3A_63, %add3A_135 : vector<16xi32>
      %gather3A_137 = tpu.vector_load_idx %arg18[%add3A_60, %add3A_136] : memref<512x128xf32, #tpu.memory_space<vmem>>[vector<16xi32>, vector<16xi32>], vector<16xf32>,
      %mul3A_138 = arith.constant 16 : i32
      %mul3A_139 = arith.muli %scan3A_55, %mul3A_138 : i32
      %swap3A_140 = arith.constant 1 : i32
      %swap3A_141 = arith.constant 6 : i32
      %swap3A_142 = arith.index_cast %swap3A_140 : i32 to index
      %swap3A_143 = arith.index_cast %swap3A_141 : i32 to index
      %swap3A_144 = arith.index_cast %mul3A_139 : i32 to index
      %swap3A_145 = tpu.vector_load %arg19[%swap3A_142, %swap3A_143, %swap3A_144] {strides = array<i32>} : memref<4x16x512xf32, #tpu.memory_space<vmem>>, vector<16xf32>,
      tpu.vector_store %arg19[%swap3A_142, %swap3A_143, %swap3A_144], %gather3A_137 {strides = array<i32>} : memref<4x16x512xf32, #tpu.memory_space<vmem>>, vector<16xf32>,
      %add3A_146 = arith.constant 7 : i32
      %add3A_147 = vector.broadcast %add3A_146 : i32 to vector<16xi32>
      %add3A_148 = arith.addi %get3A_63, %add3A_147 : vector<16xi32>
      %gather3A_149 = tpu.vector_load_idx %arg18[%add3A_60, %add3A_148] : memref<512x128xf32, #tpu.memory_space<vmem>>[vector<16xi32>, vector<16xi32>], vector<16xf32>,
      %mul3A_150 = arith.constant 16 : i32
      %mul3A_151 = arith.muli %scan3A_55, %mul3A_150 : i32
      %swap3A_152 = arith.constant 1 : i32
      %swap3A_153 = arith.constant 7 : i32
      %swap3A_154 = arith.index_cast %swap3A_152 : i32 to index
      %swap3A_155 = arith.index_cast %swap3A_153 : i32 to index
      %swap3A_156 = arith.index_cast %mul3A_151 : i32 to index
      %swap3A_157 = tpu.vector_load %arg19[%swap3A_154, %swap3A_155, %swap3A_156] {strides = array<i32>} : memref<4x16x512xf32, #tpu.memory_space<vmem>>, vector<16xf32>,
      tpu.vector_store %arg19[%swap3A_154, %swap3A_155, %swap3A_156], %gather3A_149 {strides = array<i32>} : memref<4x16x512xf32, #tpu.memory_space<vmem>>, vector<16xf32>,
      %add3A_158 = arith.constant 8 : i32
      %add3A_159 = vector.broadcast %add3A_158 : i32 to vector<16xi32>
      %add3A_160 = arith.addi %get3A_63, %add3A_159 : vector<16xi32>
      %gather3A_161 = tpu.vector_load_idx %arg18[%add3A_60, %add3A_160] : memref<512x128xf32, #tpu.memory_space<vmem>>[vector<16xi32>, vector<16xi32>], vector<16xf32>,
      %mul3A_162 = arith.constant 16 : i32
      %mul3A_163 = arith.muli %scan3A_55, %mul3A_162 : i32
      %swap3A_164 = arith.constant 1 : i32
      %swap3A_165 = arith.constant 8 : i32
      %swap3A_166 = arith.index_cast %swap3A_164 : i32 to index
      %swap3A_167 = arith.index_cast %swap3A_165 : i32 to index
      %swap3A_168 = arith.index_cast %mul3A_163 : i32 to index
      %swap3A_169 = tpu.vector_load %arg19[%swap3A_166, %swap3A_167, %swap3A_168] {strides = array<i32>} : memref<4x16x512xf32, #tpu.memory_space<vmem>>, vector<16xf32>,
      tpu.vector_store %arg19[%swap3A_166, %swap3A_167, %swap3A_168], %gather3A_161 {strides = array<i32>} : memref<4x16x512xf32, #tpu.memory_space<vmem>>, vector<16xf32>,
      %add3A_170 = arith.constant 9 : i32
      %add3A_171 = vector.broadcast %add3A_170 : i32 to vector<16xi32>
      %add3A_172 = arith.addi %get3A_63, %add3A_171 : vector<16xi32>
      %gather3A_173 = tpu.vector_load_idx %arg18[%add3A_60, %add3A_172] : memref<512x128xf32, #tpu.memory_space<vmem>>[vector<16xi32>, vector<16xi32>], vector<16xf32>,
      %mul3A_174 = arith.constant 16 : i32
      %mul3A_175 = arith.muli %scan3A_55, %mul3A_174 : i32
      %swap3A_176 = arith.constant 1 : i32
      %swap3A_177 = arith.constant 9 : i32
      %swap3A_178 = arith.index_cast %swap3A_176 : i32 to index
      %swap3A_179 = arith.index_cast %swap3A_177 : i32 to index
      %swap3A_180 = arith.index_cast %mul3A_175 : i32 to index
      %swap3A_181 = tpu.vector_load %arg19[%swap3A_178, %swap3A_179, %swap3A_180] {strides = array<i32>} : memref<4x16x512xf32, #tpu.memory_space<vmem>>, vector<16xf32>,
      tpu.vector_store %arg19[%swap3A_178, %swap3A_179, %swap3A_180], %gather3A_173 {strides = array<i32>} : memref<4x16x512xf32, #tpu.memory_space<vmem>>, vector<16xf32>,
      %add3A_182 = arith.constant 10 : i32
      %add3A_183 = vector.broadcast %add3A_182 : i32 to vector<16xi32>
      %add3A_184 = arith.addi %get3A_63, %add3A_183 : vector<16xi32>
      %gather3A_185 = tpu.vector_load_idx %arg18[%add3A_60, %add3A_184] : memref<512x128xf32, #tpu.memory_space<vmem>>[vector<16xi32>, vector<16xi32>], vector<16xf32>,
      %mul3A_186 = arith.constant 16 : i32
      %mul3A_187 = arith.muli %scan3A_55, %mul3A_186 : i32
      %swap3A_188 = arith.constant 1 : i32
      %swap3A_189 = arith.constant 10 : i32
      %swap3A_190 = arith.index_cast %swap3A_188 : i32 to index
      %swap3A_191 = arith.index_cast %swap3A_189 : i32 to index
      %swap3A_192 = arith.index_cast %mul3A_187 : i32 to index
      %swap3A_193 = tpu.vector_load %arg19[%swap3A_190, %swap3A_191, %swap3A_192] {strides = array<i32>} : memref<4x16x512xf32, #tpu.memory_space<vmem>>, vector<16xf32>,
      tpu.vector_store %arg19[%swap3A_190, %swap3A_191, %swap3A_192], %gather3A_185 {strides = array<i32>} : memref<4x16x512xf32, #tpu.memory_space<vmem>>, vector<16xf32>,
      %add3A_194 = arith.constant 11 : i32
      %add3A_195 = vector.broadcast %add3A_194 : i32 to vector<16xi32>
      %add3A_196 = arith.addi %get3A_63, %add3A_195 : vector<16xi32>
      %gather3A_197 = tpu.vector_load_idx %arg18[%add3A_60, %add3A_196] : memref<512x128xf32, #tpu.memory_space<vmem>>[vector<16xi32>, vector<16xi32>], vector<16xf32>,
      %mul3A_198 = arith.constant 16 : i32
      %mul3A_199 = arith.muli %scan3A_55, %mul3A_198 : i32
      %swap3A_200 = arith.constant 1 : i32
      %swap3A_201 = arith.constant 11 : i32
      %swap3A_202 = arith.index_cast %swap3A_200 : i32 to index
      %swap3A_203 = arith.index_cast %swap3A_201 : i32 to index
      %swap3A_204 = arith.index_cast %mul3A_199 : i32 to index
      %swap3A_205 = tpu.vector_load %arg19[%swap3A_202, %swap3A_203, %swap3A_204] {strides = array<i32>} : memref<4x16x512xf32, #tpu.memory_space<vmem>>, vector<16xf32>,
      tpu.vector_store %arg19[%swap3A_202, %swap3A_203, %swap3A_204], %gather3A_197 {strides = array<i32>} : memref<4x16x512xf32, #tpu.memory_space<vmem>>, vector<16xf32>,
      %add3A_206 = arith.constant 12 : i32
      %add3A_207 = vector.broadcast %add3A_206 : i32 to vector<16xi32>
      %add3A_208 = arith.addi %get3A_63, %add3A_207 : vector<16xi32>
      %gather3A_209 = tpu.vector_load_idx %arg18[%add3A_60, %add3A_208] : memref<512x128xf32, #tpu.memory_space<vmem>>[vector<16xi32>, vector<16xi32>], vector<16xf32>,
      %mul3A_210 = arith.constant 16 : i32
      %mul3A_211 = arith.muli %scan3A_55, %mul3A_210 : i32
      %swap3A_212 = arith.constant 1 : i32
      %swap3A_213 = arith.constant 12 : i32
      %swap3A_214 = arith.index_cast %swap3A_212 : i32 to index
      %swap3A_215 = arith.index_cast %swap3A_213 : i32 to index
      %swap3A_216 = arith.index_cast %mul3A_211 : i32 to index
      %swap3A_217 = tpu.vector_load %arg19[%swap3A_214, %swap3A_215, %swap3A_216] {strides = array<i32>} : memref<4x16x512xf32, #tpu.memory_space<vmem>>, vector<16xf32>,
      tpu.vector_store %arg19[%swap3A_214, %swap3A_215, %swap3A_216], %gather3A_209 {strides = array<i32>} : memref<4x16x512xf32, #tpu.memory_space<vmem>>, vector<16xf32>,
      %add3A_218 = arith.constant 13 : i32
      %add3A_219 = vector.broadcast %add3A_218 : i32 to vector<16xi32>
      %add3A_220 = arith.addi %get3A_63, %add3A_219 : vector<16xi32>
      %gather3A_221 = tpu.vector_load_idx %arg18[%add3A_60, %add3A_220] : memref<512x128xf32, #tpu.memory_space<vmem>>[vector<16xi32>, vector<16xi32>], vector<16xf32>,
      %mul3A_222 = arith.constant 16 : i32
      %mul3A_223 = arith.muli %scan3A_55, %mul3A_222 : i32
      %swap3A_224 = arith.constant 1 : i32
      %swap3A_225 = arith.constant 13 : i32
      %swap3A_226 = arith.index_cast %swap3A_224 : i32 to index
      %swap3A_227 = arith.index_cast %swap3A_225 : i32 to index
      %swap3A_228 = arith.index_cast %mul3A_223 : i32 to index
      %swap3A_229 = tpu.vector_load %arg19[%swap3A_226, %swap3A_227, %swap3A_228] {strides = array<i32>} : memref<4x16x512xf32, #tpu.memory_space<vmem>>, vector<16xf32>,
      tpu.vector_store %arg19[%swap3A_226, %swap3A_227, %swap3A_228], %gather3A_221 {strides = array<i32>} : memref<4x16x512xf32, #tpu.memory_space<vmem>>, vector<16xf32>,
      %add3A_230 = arith.constant 14 : i32
      %add3A_231 = vector.broadcast %add3A_230 : i32 to vector<16xi32>
      %add3A_232 = arith.addi %get3A_63, %add3A_231 : vector<16xi32>
      %gather3A_233 = tpu.vector_load_idx %arg18[%add3A_60, %add3A_232] : memref<512x128xf32, #tpu.memory_space<vmem>>[vector<16xi32>, vector<16xi32>], vector<16xf32>,
      %mul3A_234 = arith.constant 16 : i32
      %mul3A_235 = arith.muli %scan3A_55, %mul3A_234 : i32
      %swap3A_236 = arith.constant 1 : i32
      %swap3A_237 = arith.constant 14 : i32
      %swap3A_238 = arith.index_cast %swap3A_236 : i32 to index
      %swap3A_239 = arith.index_cast %swap3A_237 : i32 to index
      %swap3A_240 = arith.index_cast %mul3A_235 : i32 to index
      %swap3A_241 = tpu.vector_load %arg19[%swap3A_238, %swap3A_239, %swap3A_240] {strides = array<i32>} : memref<4x16x512xf32, #tpu.memory_space<vmem>>, vector<16xf32>,
      tpu.vector_store %arg19[%swap3A_238, %swap3A_239, %swap3A_240], %gather3A_233 {strides = array<i32>} : memref<4x16x512xf32, #tpu.memory_space<vmem>>, vector<16xf32>,
      %add3A_242 = arith.constant 15 : i32
      %add3A_243 = vector.broadcast %add3A_242 : i32 to vector<16xi32>
      %add3A_244 = arith.addi %get3A_63, %add3A_243 : vector<16xi32>
      %gather3A_245 = tpu.vector_load_idx %arg18[%add3A_60, %add3A_244] : memref<512x128xf32, #tpu.memory_space<vmem>>[vector<16xi32>, vector<16xi32>], vector<16xf32>,
      %mul3A_246 = arith.constant 16 : i32
      %mul3A_247 = arith.muli %scan3A_55, %mul3A_246 : i32
      %swap3A_248 = arith.constant 1 : i32
      %swap3A_249 = arith.constant 15 : i32
      %swap3A_250 = arith.index_cast %swap3A_248 : i32 to index
      %swap3A_251 = arith.index_cast %swap3A_249 : i32 to index
      %swap3A_252 = arith.index_cast %mul3A_247 : i32 to index
      %swap3A_253 = tpu.vector_load %arg19[%swap3A_250, %swap3A_251, %swap3A_252] {strides = array<i32>} : memref<4x16x512xf32, #tpu.memory_space<vmem>>, vector<16xf32>,
      tpu.vector_store %arg19[%swap3A_250, %swap3A_251, %swap3A_252], %gather3A_245 {strides = array<i32>} : memref<4x16x512xf32, #tpu.memory_space<vmem>>, vector<16xf32>,
      %scan3A_254 = arith.constant 0 : i32
      scf.yield %scan3A_254 : i32
    }
    %scan3A_25 = arith.constant 32 : i32
    %dma_start3A_26 = arith.constant 0 : i32
    %dma_start3A_27 = arith.constant 0 : i32
    %dma_start3A_28 = tpu.memref_slice %arg4[%dma_start3A_26, %dma_start3A_27] : memref<125000x128xf32, #tpu.memory_space<hbm>> -> memref<125000x128xf32, #tpu.memory_space<hbm>>
    tpu.enqueue_indirect_dma source(%dma_start3A_28 : memref<125000x128xf32, #tpu.memory_space<hbm>>) target(%arg18 : memref<512x128xf32, #tpu.memory_space<vmem>>) offsets(%arg14 : memref<512xi32, #tpu.memory_space<vmem>>) semaphore(%arg20 : memref<!tpu.dma_semaphore, #tpu.memory_space<semaphore_mem>>)
    %dma_wait3A_29 = arith.constant 0 : i32
    %dma_wait3A_30 = arith.constant 0 : i32
    %dma_wait3A_31 = tpu.memref_slice %arg4[%dma_wait3A_29, %dma_wait3A_30] : memref<125000x128xf32, #tpu.memory_space<hbm>> -> memref<125000x128xf32, #tpu.memory_space<hbm>>
    tpu.wait_indirect_dma semaphore(%arg20 : memref<!tpu.dma_semaphore, #tpu.memory_space<semaphore_mem>>) src(%dma_wait3A_31 : memref<125000x128xf32, #tpu.memory_space<hbm>>) dst(%arg18 : memref<512x128xf32, #tpu.memory_space<vmem>>)
    %scan3A_32 = arith.constant 0 : i32
    %scan3A_33 = arith.constant 0 : i32
    %scan3A_34 = arith.constant 32 : i32
    %scan3A_35 = arith.addi %scan3A_33, %scan3A_34 : i32
    %scan3A_36 = arith.constant 1 : i32
    %scan3A_37 = scf.for %scan3A_55 = %scan3A_33 to %scan3A_35 step %scan3A_36 iter_args(%scan3A_56 = %scan3A_32) -> (i32)  : i32 {
      %mul3A_57 = arith.constant 16 : i32
      %mul3A_58 = arith.muli %scan3A_55, %mul3A_57 : i32
      %add3A_59 = vector.broadcast %mul3A_58 : i32 to vector<16xi32>
      %add3A_60 = arith.addi %add3A_59, %iota3A : vector<16xi32>
      %mul3A_61 = arith.constant 16 : i32
      %mul3A_62 = arith.muli %scan3A_55, %mul3A_61 : i32
      %get3A = arith.index_cast %mul3A_62 : i32 to index
      %get3A_63 = tpu.vector_load %arg16[%get3A] {strides = array<i32>} : memref<512xi32, #tpu.memory_space<vmem>>, vector<16xi32>,
      %add3A_64 = arith.constant 0 : i32
      %add3A_65 = vector.broadcast %add3A_64 : i32 to vector<16xi32>
      %add3A_66 = arith.addi %get3A_63, %add3A_65 : vector<16xi32>
      %gather3A = tpu.vector_load_idx %arg18[%add3A_60, %add3A_66] : memref<512x128xf32, #tpu.memory_space<vmem>>[vector<16xi32>, vector<16xi32>], vector<16xf32>,
      %mul3A_67 = arith.constant 16 : i32
      %mul3A_68 = arith.muli %scan3A_55, %mul3A_67 : i32
      %swap3A = arith.constant 2 : i32
      %swap3A_69 = arith.constant 0 : i32
      %swap3A_70 = arith.index_cast %swap3A : i32 to index
      %swap3A_71 = arith.index_cast %swap3A_69 : i32 to index
      %swap3A_72 = arith.index_cast %mul3A_68 : i32 to index
      %swap3A_73 = tpu.vector_load %arg19[%swap3A_70, %swap3A_71, %swap3A_72] {strides = array<i32>} : memref<4x16x512xf32, #tpu.memory_space<vmem>>, vector<16xf32>,
      tpu.vector_store %arg19[%swap3A_70, %swap3A_71, %swap3A_72], %gather3A {strides = array<i32>} : memref<4x16x512xf32, #tpu.memory_space<vmem>>, vector<16xf32>,
      %add3A_74 = arith.constant 1 : i32
      %add3A_75 = vector.broadcast %add3A_74 : i32 to vector<16xi32>
      %add3A_76 = arith.addi %get3A_63, %add3A_75 : vector<16xi32>
      %gather3A_77 = tpu.vector_load_idx %arg18[%add3A_60, %add3A_76] : memref<512x128xf32, #tpu.memory_space<vmem>>[vector<16xi32>, vector<16xi32>], vector<16xf32>,
      %mul3A_78 = arith.constant 16 : i32
      %mul3A_79 = arith.muli %scan3A_55, %mul3A_78 : i32
      %swap3A_80 = arith.constant 2 : i32
      %swap3A_81 = arith.constant 1 : i32
      %swap3A_82 = arith.index_cast %swap3A_80 : i32 to index
      %swap3A_83 = arith.index_cast %swap3A_81 : i32 to index
      %swap3A_84 = arith.index_cast %mul3A_79 : i32 to index
      %swap3A_85 = tpu.vector_load %arg19[%swap3A_82, %swap3A_83, %swap3A_84] {strides = array<i32>} : memref<4x16x512xf32, #tpu.memory_space<vmem>>, vector<16xf32>,
      tpu.vector_store %arg19[%swap3A_82, %swap3A_83, %swap3A_84], %gather3A_77 {strides = array<i32>} : memref<4x16x512xf32, #tpu.memory_space<vmem>>, vector<16xf32>,
      %add3A_86 = arith.constant 2 : i32
      %add3A_87 = vector.broadcast %add3A_86 : i32 to vector<16xi32>
      %add3A_88 = arith.addi %get3A_63, %add3A_87 : vector<16xi32>
      %gather3A_89 = tpu.vector_load_idx %arg18[%add3A_60, %add3A_88] : memref<512x128xf32, #tpu.memory_space<vmem>>[vector<16xi32>, vector<16xi32>], vector<16xf32>,
      %mul3A_90 = arith.constant 16 : i32
      %mul3A_91 = arith.muli %scan3A_55, %mul3A_90 : i32
      %swap3A_92 = arith.constant 2 : i32
      %swap3A_93 = arith.constant 2 : i32
      %swap3A_94 = arith.index_cast %swap3A_92 : i32 to index
      %swap3A_95 = arith.index_cast %swap3A_93 : i32 to index
      %swap3A_96 = arith.index_cast %mul3A_91 : i32 to index
      %swap3A_97 = tpu.vector_load %arg19[%swap3A_94, %swap3A_95, %swap3A_96] {strides = array<i32>} : memref<4x16x512xf32, #tpu.memory_space<vmem>>, vector<16xf32>,
      tpu.vector_store %arg19[%swap3A_94, %swap3A_95, %swap3A_96], %gather3A_89 {strides = array<i32>} : memref<4x16x512xf32, #tpu.memory_space<vmem>>, vector<16xf32>,
      %add3A_98 = arith.constant 3 : i32
      %add3A_99 = vector.broadcast %add3A_98 : i32 to vector<16xi32>
      %add3A_100 = arith.addi %get3A_63, %add3A_99 : vector<16xi32>
      %gather3A_101 = tpu.vector_load_idx %arg18[%add3A_60, %add3A_100] : memref<512x128xf32, #tpu.memory_space<vmem>>[vector<16xi32>, vector<16xi32>], vector<16xf32>,
      %mul3A_102 = arith.constant 16 : i32
      %mul3A_103 = arith.muli %scan3A_55, %mul3A_102 : i32
      %swap3A_104 = arith.constant 2 : i32
      %swap3A_105 = arith.constant 3 : i32
      %swap3A_106 = arith.index_cast %swap3A_104 : i32 to index
      %swap3A_107 = arith.index_cast %swap3A_105 : i32 to index
      %swap3A_108 = arith.index_cast %mul3A_103 : i32 to index
      %swap3A_109 = tpu.vector_load %arg19[%swap3A_106, %swap3A_107, %swap3A_108] {strides = array<i32>} : memref<4x16x512xf32, #tpu.memory_space<vmem>>, vector<16xf32>,
      tpu.vector_store %arg19[%swap3A_106, %swap3A_107, %swap3A_108], %gather3A_101 {strides = array<i32>} : memref<4x16x512xf32, #tpu.memory_space<vmem>>, vector<16xf32>,
      %add3A_110 = arith.constant 4 : i32
      %add3A_111 = vector.broadcast %add3A_110 : i32 to vector<16xi32>
      %add3A_112 = arith.addi %get3A_63, %add3A_111 : vector<16xi32>
      %gather3A_113 = tpu.vector_load_idx %arg18[%add3A_60, %add3A_112] : memref<512x128xf32, #tpu.memory_space<vmem>>[vector<16xi32>, vector<16xi32>], vector<16xf32>,
      %mul3A_114 = arith.constant 16 : i32
      %mul3A_115 = arith.muli %scan3A_55, %mul3A_114 : i32
      %swap3A_116 = arith.constant 2 : i32
      %swap3A_117 = arith.constant 4 : i32
      %swap3A_118 = arith.index_cast %swap3A_116 : i32 to index
      %swap3A_119 = arith.index_cast %swap3A_117 : i32 to index
      %swap3A_120 = arith.index_cast %mul3A_115 : i32 to index
      %swap3A_121 = tpu.vector_load %arg19[%swap3A_118, %swap3A_119, %swap3A_120] {strides = array<i32>} : memref<4x16x512xf32, #tpu.memory_space<vmem>>, vector<16xf32>,
      tpu.vector_store %arg19[%swap3A_118, %swap3A_119, %swap3A_120], %gather3A_113 {strides = array<i32>} : memref<4x16x512xf32, #tpu.memory_space<vmem>>, vector<16xf32>,
      %add3A_122 = arith.constant 5 : i32
      %add3A_123 = vector.broadcast %add3A_122 : i32 to vector<16xi32>
      %add3A_124 = arith.addi %get3A_63, %add3A_123 : vector<16xi32>
      %gather3A_125 = tpu.vector_load_idx %arg18[%add3A_60, %add3A_124] : memref<512x128xf32, #tpu.memory_space<vmem>>[vector<16xi32>, vector<16xi32>], vector<16xf32>,
      %mul3A_126 = arith.constant 16 : i32
      %mul3A_127 = arith.muli %scan3A_55, %mul3A_126 : i32
      %swap3A_128 = arith.constant 2 : i32
      %swap3A_129 = arith.constant 5 : i32
      %swap3A_130 = arith.index_cast %swap3A_128 : i32 to index
      %swap3A_131 = arith.index_cast %swap3A_129 : i32 to index
      %swap3A_132 = arith.index_cast %mul3A_127 : i32 to index
      %swap3A_133 = tpu.vector_load %arg19[%swap3A_130, %swap3A_131, %swap3A_132] {strides = array<i32>} : memref<4x16x512xf32, #tpu.memory_space<vmem>>, vector<16xf32>,
      tpu.vector_store %arg19[%swap3A_130, %swap3A_131, %swap3A_132], %gather3A_125 {strides = array<i32>} : memref<4x16x512xf32, #tpu.memory_space<vmem>>, vector<16xf32>,
      %add3A_134 = arith.constant 6 : i32
      %add3A_135 = vector.broadcast %add3A_134 : i32 to vector<16xi32>
      %add3A_136 = arith.addi %get3A_63, %add3A_135 : vector<16xi32>
      %gather3A_137 = tpu.vector_load_idx %arg18[%add3A_60, %add3A_136] : memref<512x128xf32, #tpu.memory_space<vmem>>[vector<16xi32>, vector<16xi32>], vector<16xf32>,
      %mul3A_138 = arith.constant 16 : i32
      %mul3A_139 = arith.muli %scan3A_55, %mul3A_138 : i32
      %swap3A_140 = arith.constant 2 : i32
      %swap3A_141 = arith.constant 6 : i32
      %swap3A_142 = arith.index_cast %swap3A_140 : i32 to index
      %swap3A_143 = arith.index_cast %swap3A_141 : i32 to index
      %swap3A_144 = arith.index_cast %mul3A_139 : i32 to index
      %swap3A_145 = tpu.vector_load %arg19[%swap3A_142, %swap3A_143, %swap3A_144] {strides = array<i32>} : memref<4x16x512xf32, #tpu.memory_space<vmem>>, vector<16xf32>,
      tpu.vector_store %arg19[%swap3A_142, %swap3A_143, %swap3A_144], %gather3A_137 {strides = array<i32>} : memref<4x16x512xf32, #tpu.memory_space<vmem>>, vector<16xf32>,
      %add3A_146 = arith.constant 7 : i32
      %add3A_147 = vector.broadcast %add3A_146 : i32 to vector<16xi32>
      %add3A_148 = arith.addi %get3A_63, %add3A_147 : vector<16xi32>
      %gather3A_149 = tpu.vector_load_idx %arg18[%add3A_60, %add3A_148] : memref<512x128xf32, #tpu.memory_space<vmem>>[vector<16xi32>, vector<16xi32>], vector<16xf32>,
      %mul3A_150 = arith.constant 16 : i32
      %mul3A_151 = arith.muli %scan3A_55, %mul3A_150 : i32
      %swap3A_152 = arith.constant 2 : i32
      %swap3A_153 = arith.constant 7 : i32
      %swap3A_154 = arith.index_cast %swap3A_152 : i32 to index
      %swap3A_155 = arith.index_cast %swap3A_153 : i32 to index
      %swap3A_156 = arith.index_cast %mul3A_151 : i32 to index
      %swap3A_157 = tpu.vector_load %arg19[%swap3A_154, %swap3A_155, %swap3A_156] {strides = array<i32>} : memref<4x16x512xf32, #tpu.memory_space<vmem>>, vector<16xf32>,
      tpu.vector_store %arg19[%swap3A_154, %swap3A_155, %swap3A_156], %gather3A_149 {strides = array<i32>} : memref<4x16x512xf32, #tpu.memory_space<vmem>>, vector<16xf32>,
      %add3A_158 = arith.constant 8 : i32
      %add3A_159 = vector.broadcast %add3A_158 : i32 to vector<16xi32>
      %add3A_160 = arith.addi %get3A_63, %add3A_159 : vector<16xi32>
      %gather3A_161 = tpu.vector_load_idx %arg18[%add3A_60, %add3A_160] : memref<512x128xf32, #tpu.memory_space<vmem>>[vector<16xi32>, vector<16xi32>], vector<16xf32>,
      %mul3A_162 = arith.constant 16 : i32
      %mul3A_163 = arith.muli %scan3A_55, %mul3A_162 : i32
      %swap3A_164 = arith.constant 2 : i32
      %swap3A_165 = arith.constant 8 : i32
      %swap3A_166 = arith.index_cast %swap3A_164 : i32 to index
      %swap3A_167 = arith.index_cast %swap3A_165 : i32 to index
      %swap3A_168 = arith.index_cast %mul3A_163 : i32 to index
      %swap3A_169 = tpu.vector_load %arg19[%swap3A_166, %swap3A_167, %swap3A_168] {strides = array<i32>} : memref<4x16x512xf32, #tpu.memory_space<vmem>>, vector<16xf32>,
      tpu.vector_store %arg19[%swap3A_166, %swap3A_167, %swap3A_168], %gather3A_161 {strides = array<i32>} : memref<4x16x512xf32, #tpu.memory_space<vmem>>, vector<16xf32>,
      %add3A_170 = arith.constant 9 : i32
      %add3A_171 = vector.broadcast %add3A_170 : i32 to vector<16xi32>
      %add3A_172 = arith.addi %get3A_63, %add3A_171 : vector<16xi32>
      %gather3A_173 = tpu.vector_load_idx %arg18[%add3A_60, %add3A_172] : memref<512x128xf32, #tpu.memory_space<vmem>>[vector<16xi32>, vector<16xi32>], vector<16xf32>,
      %mul3A_174 = arith.constant 16 : i32
      %mul3A_175 = arith.muli %scan3A_55, %mul3A_174 : i32
      %swap3A_176 = arith.constant 2 : i32
      %swap3A_177 = arith.constant 9 : i32
      %swap3A_178 = arith.index_cast %swap3A_176 : i32 to index
      %swap3A_179 = arith.index_cast %swap3A_177 : i32 to index
      %swap3A_180 = arith.index_cast %mul3A_175 : i32 to index
      %swap3A_181 = tpu.vector_load %arg19[%swap3A_178, %swap3A_179, %swap3A_180] {strides = array<i32>} : memref<4x16x512xf32, #tpu.memory_space<vmem>>, vector<16xf32>,
      tpu.vector_store %arg19[%swap3A_178, %swap3A_179, %swap3A_180], %gather3A_173 {strides = array<i32>} : memref<4x16x512xf32, #tpu.memory_space<vmem>>, vector<16xf32>,
      %add3A_182 = arith.constant 10 : i32
      %add3A_183 = vector.broadcast %add3A_182 : i32 to vector<16xi32>
      %add3A_184 = arith.addi %get3A_63, %add3A_183 : vector<16xi32>
      %gather3A_185 = tpu.vector_load_idx %arg18[%add3A_60, %add3A_184] : memref<512x128xf32, #tpu.memory_space<vmem>>[vector<16xi32>, vector<16xi32>], vector<16xf32>,
      %mul3A_186 = arith.constant 16 : i32
      %mul3A_187 = arith.muli %scan3A_55, %mul3A_186 : i32
      %swap3A_188 = arith.constant 2 : i32
      %swap3A_189 = arith.constant 10 : i32
      %swap3A_190 = arith.index_cast %swap3A_188 : i32 to index
      %swap3A_191 = arith.index_cast %swap3A_189 : i32 to index
      %swap3A_192 = arith.index_cast %mul3A_187 : i32 to index
      %swap3A_193 = tpu.vector_load %arg19[%swap3A_190, %swap3A_191, %swap3A_192] {strides = array<i32>} : memref<4x16x512xf32, #tpu.memory_space<vmem>>, vector<16xf32>,
      tpu.vector_store %arg19[%swap3A_190, %swap3A_191, %swap3A_192], %gather3A_185 {strides = array<i32>} : memref<4x16x512xf32, #tpu.memory_space<vmem>>, vector<16xf32>,
      %add3A_194 = arith.constant 11 : i32
      %add3A_195 = vector.broadcast %add3A_194 : i32 to vector<16xi32>
      %add3A_196 = arith.addi %get3A_63, %add3A_195 : vector<16xi32>
      %gather3A_197 = tpu.vector_load_idx %arg18[%add3A_60, %add3A_196] : memref<512x128xf32, #tpu.memory_space<vmem>>[vector<16xi32>, vector<16xi32>], vector<16xf32>,
      %mul3A_198 = arith.constant 16 : i32
      %mul3A_199 = arith.muli %scan3A_55, %mul3A_198 : i32
      %swap3A_200 = arith.constant 2 : i32
      %swap3A_201 = arith.constant 11 : i32
      %swap3A_202 = arith.index_cast %swap3A_200 : i32 to index
      %swap3A_203 = arith.index_cast %swap3A_201 : i32 to index
      %swap3A_204 = arith.index_cast %mul3A_199 : i32 to index
      %swap3A_205 = tpu.vector_load %arg19[%swap3A_202, %swap3A_203, %swap3A_204] {strides = array<i32>} : memref<4x16x512xf32, #tpu.memory_space<vmem>>, vector<16xf32>,
      tpu.vector_store %arg19[%swap3A_202, %swap3A_203, %swap3A_204], %gather3A_197 {strides = array<i32>} : memref<4x16x512xf32, #tpu.memory_space<vmem>>, vector<16xf32>,
      %add3A_206 = arith.constant 12 : i32
      %add3A_207 = vector.broadcast %add3A_206 : i32 to vector<16xi32>
      %add3A_208 = arith.addi %get3A_63, %add3A_207 : vector<16xi32>
      %gather3A_209 = tpu.vector_load_idx %arg18[%add3A_60, %add3A_208] : memref<512x128xf32, #tpu.memory_space<vmem>>[vector<16xi32>, vector<16xi32>], vector<16xf32>,
      %mul3A_210 = arith.constant 16 : i32
      %mul3A_211 = arith.muli %scan3A_55, %mul3A_210 : i32
      %swap3A_212 = arith.constant 2 : i32
      %swap3A_213 = arith.constant 12 : i32
      %swap3A_214 = arith.index_cast %swap3A_212 : i32 to index
      %swap3A_215 = arith.index_cast %swap3A_213 : i32 to index
      %swap3A_216 = arith.index_cast %mul3A_211 : i32 to index
      %swap3A_217 = tpu.vector_load %arg19[%swap3A_214, %swap3A_215, %swap3A_216] {strides = array<i32>} : memref<4x16x512xf32, #tpu.memory_space<vmem>>, vector<16xf32>,
      tpu.vector_store %arg19[%swap3A_214, %swap3A_215, %swap3A_216], %gather3A_209 {strides = array<i32>} : memref<4x16x512xf32, #tpu.memory_space<vmem>>, vector<16xf32>,
      %add3A_218 = arith.constant 13 : i32
      %add3A_219 = vector.broadcast %add3A_218 : i32 to vector<16xi32>
      %add3A_220 = arith.addi %get3A_63, %add3A_219 : vector<16xi32>
      %gather3A_221 = tpu.vector_load_idx %arg18[%add3A_60, %add3A_220] : memref<512x128xf32, #tpu.memory_space<vmem>>[vector<16xi32>, vector<16xi32>], vector<16xf32>,
      %mul3A_222 = arith.constant 16 : i32
      %mul3A_223 = arith.muli %scan3A_55, %mul3A_222 : i32
      %swap3A_224 = arith.constant 2 : i32
      %swap3A_225 = arith.constant 13 : i32
      %swap3A_226 = arith.index_cast %swap3A_224 : i32 to index
      %swap3A_227 = arith.index_cast %swap3A_225 : i32 to index
      %swap3A_228 = arith.index_cast %mul3A_223 : i32 to index
      %swap3A_229 = tpu.vector_load %arg19[%swap3A_226, %swap3A_227, %swap3A_228] {strides = array<i32>} : memref<4x16x512xf32, #tpu.memory_space<vmem>>, vector<16xf32>,
      tpu.vector_store %arg19[%swap3A_226, %swap3A_227, %swap3A_228], %gather3A_221 {strides = array<i32>} : memref<4x16x512xf32, #tpu.memory_space<vmem>>, vector<16xf32>,
      %add3A_230 = arith.constant 14 : i32
      %add3A_231 = vector.broadcast %add3A_230 : i32 to vector<16xi32>
      %add3A_232 = arith.addi %get3A_63, %add3A_231 : vector<16xi32>
      %gather3A_233 = tpu.vector_load_idx %arg18[%add3A_60, %add3A_232] : memref<512x128xf32, #tpu.memory_space<vmem>>[vector<16xi32>, vector<16xi32>], vector<16xf32>,
      %mul3A_234 = arith.constant 16 : i32
      %mul3A_235 = arith.muli %scan3A_55, %mul3A_234 : i32
      %swap3A_236 = arith.constant 2 : i32
      %swap3A_237 = arith.constant 14 : i32
      %swap3A_238 = arith.index_cast %swap3A_236 : i32 to index
      %swap3A_239 = arith.index_cast %swap3A_237 : i32 to index
      %swap3A_240 = arith.index_cast %mul3A_235 : i32 to index
      %swap3A_241 = tpu.vector_load %arg19[%swap3A_238, %swap3A_239, %swap3A_240] {strides = array<i32>} : memref<4x16x512xf32, #tpu.memory_space<vmem>>, vector<16xf32>,
      tpu.vector_store %arg19[%swap3A_238, %swap3A_239, %swap3A_240], %gather3A_233 {strides = array<i32>} : memref<4x16x512xf32, #tpu.memory_space<vmem>>, vector<16xf32>,
      %add3A_242 = arith.constant 15 : i32
      %add3A_243 = vector.broadcast %add3A_242 : i32 to vector<16xi32>
      %add3A_244 = arith.addi %get3A_63, %add3A_243 : vector<16xi32>
      %gather3A_245 = tpu.vector_load_idx %arg18[%add3A_60, %add3A_244] : memref<512x128xf32, #tpu.memory_space<vmem>>[vector<16xi32>, vector<16xi32>], vector<16xf32>,
      %mul3A_246 = arith.constant 16 : i32
      %mul3A_247 = arith.muli %scan3A_55, %mul3A_246 : i32
      %swap3A_248 = arith.constant 2 : i32
      %swap3A_249 = arith.constant 15 : i32
      %swap3A_250 = arith.index_cast %swap3A_248 : i32 to index
      %swap3A_251 = arith.index_cast %swap3A_249 : i32 to index
      %swap3A_252 = arith.index_cast %mul3A_247 : i32 to index
      %swap3A_253 = tpu.vector_load %arg19[%swap3A_250, %swap3A_251, %swap3A_252] {strides = array<i32>} : memref<4x16x512xf32, #tpu.memory_space<vmem>>, vector<16xf32>,
      tpu.vector_store %arg19[%swap3A_250, %swap3A_251, %swap3A_252], %gather3A_245 {strides = array<i32>} : memref<4x16x512xf32, #tpu.memory_space<vmem>>, vector<16xf32>,
      %scan3A_254 = arith.constant 0 : i32
      scf.yield %scan3A_254 : i32
    }
    %scan3A_38 = arith.constant 32 : i32
    %dma_start3A_39 = arith.constant 0 : i32
    %dma_start3A_40 = arith.constant 0 : i32
    %dma_start3A_41 = tpu.memref_slice %arg5[%dma_start3A_39, %dma_start3A_40] : memref<125000x128xf32, #tpu.memory_space<hbm>> -> memref<125000x128xf32, #tpu.memory_space<hbm>>
    tpu.enqueue_indirect_dma source(%dma_start3A_41 : memref<125000x128xf32, #tpu.memory_space<hbm>>) target(%arg18 : memref<512x128xf32, #tpu.memory_space<vmem>>) offsets(%arg15 : memref<512xi32, #tpu.memory_space<vmem>>) semaphore(%arg20 : memref<!tpu.dma_semaphore, #tpu.memory_space<semaphore_mem>>)
    %dma_wait3A_42 = arith.constant 0 : i32
    %dma_wait3A_43 = arith.constant 0 : i32
    %dma_wait3A_44 = tpu.memref_slice %arg5[%dma_wait3A_42, %dma_wait3A_43] : memref<125000x128xf32, #tpu.memory_space<hbm>> -> memref<125000x128xf32, #tpu.memory_space<hbm>>
    tpu.wait_indirect_dma semaphore(%arg20 : memref<!tpu.dma_semaphore, #tpu.memory_space<semaphore_mem>>) src(%dma_wait3A_44 : memref<125000x128xf32, #tpu.memory_space<hbm>>) dst(%arg18 : memref<512x128xf32, #tpu.memory_space<vmem>>)
    %scan3A_45 = arith.constant 0 : i32
    %scan3A_46 = arith.constant 0 : i32
    %scan3A_47 = arith.constant 32 : i32
    %scan3A_48 = arith.addi %scan3A_46, %scan3A_47 : i32
    %scan3A_49 = arith.constant 1 : i32
    %scan3A_50 = scf.for %scan3A_55 = %scan3A_46 to %scan3A_48 step %scan3A_49 iter_args(%scan3A_56 = %scan3A_45) -> (i32)  : i32 {
      %mul3A_57 = arith.constant 16 : i32
      %mul3A_58 = arith.muli %scan3A_55, %mul3A_57 : i32
      %add3A_59 = vector.broadcast %mul3A_58 : i32 to vector<16xi32>
      %add3A_60 = arith.addi %add3A_59, %iota3A : vector<16xi32>
      %mul3A_61 = arith.constant 16 : i32
      %mul3A_62 = arith.muli %scan3A_55, %mul3A_61 : i32
      %get3A = arith.index_cast %mul3A_62 : i32 to index
      %get3A_63 = tpu.vector_load %arg17[%get3A] {strides = array<i32>} : memref<512xi32, #tpu.memory_space<vmem>>, vector<16xi32>,
      %add3A_64 = arith.constant 0 : i32
      %add3A_65 = vector.broadcast %add3A_64 : i32 to vector<16xi32>
      %add3A_66 = arith.addi %get3A_63, %add3A_65 : vector<16xi32>
      %gather3A = tpu.vector_load_idx %arg18[%add3A_60, %add3A_66] : memref<512x128xf32, #tpu.memory_space<vmem>>[vector<16xi32>, vector<16xi32>], vector<16xf32>,
      %mul3A_67 = arith.constant 16 : i32
      %mul3A_68 = arith.muli %scan3A_55, %mul3A_67 : i32
      %swap3A = arith.constant 3 : i32
      %swap3A_69 = arith.constant 0 : i32
      %swap3A_70 = arith.index_cast %swap3A : i32 to index
      %swap3A_71 = arith.index_cast %swap3A_69 : i32 to index
      %swap3A_72 = arith.index_cast %mul3A_68 : i32 to index
      %swap3A_73 = tpu.vector_load %arg19[%swap3A_70, %swap3A_71, %swap3A_72] {strides = array<i32>} : memref<4x16x512xf32, #tpu.memory_space<vmem>>, vector<16xf32>,
      tpu.vector_store %arg19[%swap3A_70, %swap3A_71, %swap3A_72], %gather3A {strides = array<i32>} : memref<4x16x512xf32, #tpu.memory_space<vmem>>, vector<16xf32>,
      %add3A_74 = arith.constant 1 : i32
      %add3A_75 = vector.broadcast %add3A_74 : i32 to vector<16xi32>
      %add3A_76 = arith.addi %get3A_63, %add3A_75 : vector<16xi32>
      %gather3A_77 = tpu.vector_load_idx %arg18[%add3A_60, %add3A_76] : memref<512x128xf32, #tpu.memory_space<vmem>>[vector<16xi32>, vector<16xi32>], vector<16xf32>,
      %mul3A_78 = arith.constant 16 : i32
      %mul3A_79 = arith.muli %scan3A_55, %mul3A_78 : i32
      %swap3A_80 = arith.constant 3 : i32
      %swap3A_81 = arith.constant 1 : i32
      %swap3A_82 = arith.index_cast %swap3A_80 : i32 to index
      %swap3A_83 = arith.index_cast %swap3A_81 : i32 to index
      %swap3A_84 = arith.index_cast %mul3A_79 : i32 to index
      %swap3A_85 = tpu.vector_load %arg19[%swap3A_82, %swap3A_83, %swap3A_84] {strides = array<i32>} : memref<4x16x512xf32, #tpu.memory_space<vmem>>, vector<16xf32>,
      tpu.vector_store %arg19[%swap3A_82, %swap3A_83, %swap3A_84], %gather3A_77 {strides = array<i32>} : memref<4x16x512xf32, #tpu.memory_space<vmem>>, vector<16xf32>,
      %add3A_86 = arith.constant 2 : i32
      %add3A_87 = vector.broadcast %add3A_86 : i32 to vector<16xi32>
      %add3A_88 = arith.addi %get3A_63, %add3A_87 : vector<16xi32>
      %gather3A_89 = tpu.vector_load_idx %arg18[%add3A_60, %add3A_88] : memref<512x128xf32, #tpu.memory_space<vmem>>[vector<16xi32>, vector<16xi32>], vector<16xf32>,
      %mul3A_90 = arith.constant 16 : i32
      %mul3A_91 = arith.muli %scan3A_55, %mul3A_90 : i32
      %swap3A_92 = arith.constant 3 : i32
      %swap3A_93 = arith.constant 2 : i32
      %swap3A_94 = arith.index_cast %swap3A_92 : i32 to index
      %swap3A_95 = arith.index_cast %swap3A_93 : i32 to index
      %swap3A_96 = arith.index_cast %mul3A_91 : i32 to index
      %swap3A_97 = tpu.vector_load %arg19[%swap3A_94, %swap3A_95, %swap3A_96] {strides = array<i32>} : memref<4x16x512xf32, #tpu.memory_space<vmem>>, vector<16xf32>,
      tpu.vector_store %arg19[%swap3A_94, %swap3A_95, %swap3A_96], %gather3A_89 {strides = array<i32>} : memref<4x16x512xf32, #tpu.memory_space<vmem>>, vector<16xf32>,
      %add3A_98 = arith.constant 3 : i32
      %add3A_99 = vector.broadcast %add3A_98 : i32 to vector<16xi32>
      %add3A_100 = arith.addi %get3A_63, %add3A_99 : vector<16xi32>
      %gather3A_101 = tpu.vector_load_idx %arg18[%add3A_60, %add3A_100] : memref<512x128xf32, #tpu.memory_space<vmem>>[vector<16xi32>, vector<16xi32>], vector<16xf32>,
      %mul3A_102 = arith.constant 16 : i32
      %mul3A_103 = arith.muli %scan3A_55, %mul3A_102 : i32
      %swap3A_104 = arith.constant 3 : i32
      %swap3A_105 = arith.constant 3 : i32
      %swap3A_106 = arith.index_cast %swap3A_104 : i32 to index
      %swap3A_107 = arith.index_cast %swap3A_105 : i32 to index
      %swap3A_108 = arith.index_cast %mul3A_103 : i32 to index
      %swap3A_109 = tpu.vector_load %arg19[%swap3A_106, %swap3A_107, %swap3A_108] {strides = array<i32>} : memref<4x16x512xf32, #tpu.memory_space<vmem>>, vector<16xf32>,
      tpu.vector_store %arg19[%swap3A_106, %swap3A_107, %swap3A_108], %gather3A_101 {strides = array<i32>} : memref<4x16x512xf32, #tpu.memory_space<vmem>>, vector<16xf32>,
      %add3A_110 = arith.constant 4 : i32
      %add3A_111 = vector.broadcast %add3A_110 : i32 to vector<16xi32>
      %add3A_112 = arith.addi %get3A_63, %add3A_111 : vector<16xi32>
      %gather3A_113 = tpu.vector_load_idx %arg18[%add3A_60, %add3A_112] : memref<512x128xf32, #tpu.memory_space<vmem>>[vector<16xi32>, vector<16xi32>], vector<16xf32>,
      %mul3A_114 = arith.constant 16 : i32
      %mul3A_115 = arith.muli %scan3A_55, %mul3A_114 : i32
      %swap3A_116 = arith.constant 3 : i32
      %swap3A_117 = arith.constant 4 : i32
      %swap3A_118 = arith.index_cast %swap3A_116 : i32 to index
      %swap3A_119 = arith.index_cast %swap3A_117 : i32 to index
      %swap3A_120 = arith.index_cast %mul3A_115 : i32 to index
      %swap3A_121 = tpu.vector_load %arg19[%swap3A_118, %swap3A_119, %swap3A_120] {strides = array<i32>} : memref<4x16x512xf32, #tpu.memory_space<vmem>>, vector<16xf32>,
      tpu.vector_store %arg19[%swap3A_118, %swap3A_119, %swap3A_120], %gather3A_113 {strides = array<i32>} : memref<4x16x512xf32, #tpu.memory_space<vmem>>, vector<16xf32>,
      %add3A_122 = arith.constant 5 : i32
      %add3A_123 = vector.broadcast %add3A_122 : i32 to vector<16xi32>
      %add3A_124 = arith.addi %get3A_63, %add3A_123 : vector<16xi32>
      %gather3A_125 = tpu.vector_load_idx %arg18[%add3A_60, %add3A_124] : memref<512x128xf32, #tpu.memory_space<vmem>>[vector<16xi32>, vector<16xi32>], vector<16xf32>,
      %mul3A_126 = arith.constant 16 : i32
      %mul3A_127 = arith.muli %scan3A_55, %mul3A_126 : i32
      %swap3A_128 = arith.constant 3 : i32
      %swap3A_129 = arith.constant 5 : i32
      %swap3A_130 = arith.index_cast %swap3A_128 : i32 to index
      %swap3A_131 = arith.index_cast %swap3A_129 : i32 to index
      %swap3A_132 = arith.index_cast %mul3A_127 : i32 to index
      %swap3A_133 = tpu.vector_load %arg19[%swap3A_130, %swap3A_131, %swap3A_132] {strides = array<i32>} : memref<4x16x512xf32, #tpu.memory_space<vmem>>, vector<16xf32>,
      tpu.vector_store %arg19[%swap3A_130, %swap3A_131, %swap3A_132], %gather3A_125 {strides = array<i32>} : memref<4x16x512xf32, #tpu.memory_space<vmem>>, vector<16xf32>,
      %add3A_134 = arith.constant 6 : i32
      %add3A_135 = vector.broadcast %add3A_134 : i32 to vector<16xi32>
      %add3A_136 = arith.addi %get3A_63, %add3A_135 : vector<16xi32>
      %gather3A_137 = tpu.vector_load_idx %arg18[%add3A_60, %add3A_136] : memref<512x128xf32, #tpu.memory_space<vmem>>[vector<16xi32>, vector<16xi32>], vector<16xf32>,
      %mul3A_138 = arith.constant 16 : i32
      %mul3A_139 = arith.muli %scan3A_55, %mul3A_138 : i32
      %swap3A_140 = arith.constant 3 : i32
      %swap3A_141 = arith.constant 6 : i32
      %swap3A_142 = arith.index_cast %swap3A_140 : i32 to index
      %swap3A_143 = arith.index_cast %swap3A_141 : i32 to index
      %swap3A_144 = arith.index_cast %mul3A_139 : i32 to index
      %swap3A_145 = tpu.vector_load %arg19[%swap3A_142, %swap3A_143, %swap3A_144] {strides = array<i32>} : memref<4x16x512xf32, #tpu.memory_space<vmem>>, vector<16xf32>,
      tpu.vector_store %arg19[%swap3A_142, %swap3A_143, %swap3A_144], %gather3A_137 {strides = array<i32>} : memref<4x16x512xf32, #tpu.memory_space<vmem>>, vector<16xf32>,
      %add3A_146 = arith.constant 7 : i32
      %add3A_147 = vector.broadcast %add3A_146 : i32 to vector<16xi32>
      %add3A_148 = arith.addi %get3A_63, %add3A_147 : vector<16xi32>
      %gather3A_149 = tpu.vector_load_idx %arg18[%add3A_60, %add3A_148] : memref<512x128xf32, #tpu.memory_space<vmem>>[vector<16xi32>, vector<16xi32>], vector<16xf32>,
      %mul3A_150 = arith.constant 16 : i32
      %mul3A_151 = arith.muli %scan3A_55, %mul3A_150 : i32
      %swap3A_152 = arith.constant 3 : i32
      %swap3A_153 = arith.constant 7 : i32
      %swap3A_154 = arith.index_cast %swap3A_152 : i32 to index
      %swap3A_155 = arith.index_cast %swap3A_153 : i32 to index
      %swap3A_156 = arith.index_cast %mul3A_151 : i32 to index
      %swap3A_157 = tpu.vector_load %arg19[%swap3A_154, %swap3A_155, %swap3A_156] {strides = array<i32>} : memref<4x16x512xf32, #tpu.memory_space<vmem>>, vector<16xf32>,
      tpu.vector_store %arg19[%swap3A_154, %swap3A_155, %swap3A_156], %gather3A_149 {strides = array<i32>} : memref<4x16x512xf32, #tpu.memory_space<vmem>>, vector<16xf32>,
      %add3A_158 = arith.constant 8 : i32
      %add3A_159 = vector.broadcast %add3A_158 : i32 to vector<16xi32>
      %add3A_160 = arith.addi %get3A_63, %add3A_159 : vector<16xi32>
      %gather3A_161 = tpu.vector_load_idx %arg18[%add3A_60, %add3A_160] : memref<512x128xf32, #tpu.memory_space<vmem>>[vector<16xi32>, vector<16xi32>], vector<16xf32>,
      %mul3A_162 = arith.constant 16 : i32
      %mul3A_163 = arith.muli %scan3A_55, %mul3A_162 : i32
      %swap3A_164 = arith.constant 3 : i32
      %swap3A_165 = arith.constant 8 : i32
      %swap3A_166 = arith.index_cast %swap3A_164 : i32 to index
      %swap3A_167 = arith.index_cast %swap3A_165 : i32 to index
      %swap3A_168 = arith.index_cast %mul3A_163 : i32 to index
      %swap3A_169 = tpu.vector_load %arg19[%swap3A_166, %swap3A_167, %swap3A_168] {strides = array<i32>} : memref<4x16x512xf32, #tpu.memory_space<vmem>>, vector<16xf32>,
      tpu.vector_store %arg19[%swap3A_166, %swap3A_167, %swap3A_168], %gather3A_161 {strides = array<i32>} : memref<4x16x512xf32, #tpu.memory_space<vmem>>, vector<16xf32>,
      %add3A_170 = arith.constant 9 : i32
      %add3A_171 = vector.broadcast %add3A_170 : i32 to vector<16xi32>
      %add3A_172 = arith.addi %get3A_63, %add3A_171 : vector<16xi32>
      %gather3A_173 = tpu.vector_load_idx %arg18[%add3A_60, %add3A_172] : memref<512x128xf32, #tpu.memory_space<vmem>>[vector<16xi32>, vector<16xi32>], vector<16xf32>,
      %mul3A_174 = arith.constant 16 : i32
      %mul3A_175 = arith.muli %scan3A_55, %mul3A_174 : i32
      %swap3A_176 = arith.constant 3 : i32
      %swap3A_177 = arith.constant 9 : i32
      %swap3A_178 = arith.index_cast %swap3A_176 : i32 to index
      %swap3A_179 = arith.index_cast %swap3A_177 : i32 to index
      %swap3A_180 = arith.index_cast %mul3A_175 : i32 to index
      %swap3A_181 = tpu.vector_load %arg19[%swap3A_178, %swap3A_179, %swap3A_180] {strides = array<i32>} : memref<4x16x512xf32, #tpu.memory_space<vmem>>, vector<16xf32>,
      tpu.vector_store %arg19[%swap3A_178, %swap3A_179, %swap3A_180], %gather3A_173 {strides = array<i32>} : memref<4x16x512xf32, #tpu.memory_space<vmem>>, vector<16xf32>,
      %add3A_182 = arith.constant 10 : i32
      %add3A_183 = vector.broadcast %add3A_182 : i32 to vector<16xi32>
      %add3A_184 = arith.addi %get3A_63, %add3A_183 : vector<16xi32>
      %gather3A_185 = tpu.vector_load_idx %arg18[%add3A_60, %add3A_184] : memref<512x128xf32, #tpu.memory_space<vmem>>[vector<16xi32>, vector<16xi32>], vector<16xf32>,
      %mul3A_186 = arith.constant 16 : i32
      %mul3A_187 = arith.muli %scan3A_55, %mul3A_186 : i32
      %swap3A_188 = arith.constant 3 : i32
      %swap3A_189 = arith.constant 10 : i32
      %swap3A_190 = arith.index_cast %swap3A_188 : i32 to index
      %swap3A_191 = arith.index_cast %swap3A_189 : i32 to index
      %swap3A_192 = arith.index_cast %mul3A_187 : i32 to index
      %swap3A_193 = tpu.vector_load %arg19[%swap3A_190, %swap3A_191, %swap3A_192] {strides = array<i32>} : memref<4x16x512xf32, #tpu.memory_space<vmem>>, vector<16xf32>,
      tpu.vector_store %arg19[%swap3A_190, %swap3A_191, %swap3A_192], %gather3A_185 {strides = array<i32>} : memref<4x16x512xf32, #tpu.memory_space<vmem>>, vector<16xf32>,
      %add3A_194 = arith.constant 11 : i32
      %add3A_195 = vector.broadcast %add3A_194 : i32 to vector<16xi32>
      %add3A_196 = arith.addi %get3A_63, %add3A_195 : vector<16xi32>
      %gather3A_197 = tpu.vector_load_idx %arg18[%add3A_60, %add3A_196] : memref<512x128xf32, #tpu.memory_space<vmem>>[vector<16xi32>, vector<16xi32>], vector<16xf32>,
      %mul3A_198 = arith.constant 16 : i32
      %mul3A_199 = arith.muli %scan3A_55, %mul3A_198 : i32
      %swap3A_200 = arith.constant 3 : i32
      %swap3A_201 = arith.constant 11 : i32
      %swap3A_202 = arith.index_cast %swap3A_200 : i32 to index
      %swap3A_203 = arith.index_cast %swap3A_201 : i32 to index
      %swap3A_204 = arith.index_cast %mul3A_199 : i32 to index
      %swap3A_205 = tpu.vector_load %arg19[%swap3A_202, %swap3A_203, %swap3A_204] {strides = array<i32>} : memref<4x16x512xf32, #tpu.memory_space<vmem>>, vector<16xf32>,
      tpu.vector_store %arg19[%swap3A_202, %swap3A_203, %swap3A_204], %gather3A_197 {strides = array<i32>} : memref<4x16x512xf32, #tpu.memory_space<vmem>>, vector<16xf32>,
      %add3A_206 = arith.constant 12 : i32
      %add3A_207 = vector.broadcast %add3A_206 : i32 to vector<16xi32>
      %add3A_208 = arith.addi %get3A_63, %add3A_207 : vector<16xi32>
      %gather3A_209 = tpu.vector_load_idx %arg18[%add3A_60, %add3A_208] : memref<512x128xf32, #tpu.memory_space<vmem>>[vector<16xi32>, vector<16xi32>], vector<16xf32>,
      %mul3A_210 = arith.constant 16 : i32
      %mul3A_211 = arith.muli %scan3A_55, %mul3A_210 : i32
      %swap3A_212 = arith.constant 3 : i32
      %swap3A_213 = arith.constant 12 : i32
      %swap3A_214 = arith.index_cast %swap3A_212 : i32 to index
      %swap3A_215 = arith.index_cast %swap3A_213 : i32 to index
      %swap3A_216 = arith.index_cast %mul3A_211 : i32 to index
      %swap3A_217 = tpu.vector_load %arg19[%swap3A_214, %swap3A_215, %swap3A_216] {strides = array<i32>} : memref<4x16x512xf32, #tpu.memory_space<vmem>>, vector<16xf32>,
      tpu.vector_store %arg19[%swap3A_214, %swap3A_215, %swap3A_216], %gather3A_209 {strides = array<i32>} : memref<4x16x512xf32, #tpu.memory_space<vmem>>, vector<16xf32>,
      %add3A_218 = arith.constant 13 : i32
      %add3A_219 = vector.broadcast %add3A_218 : i32 to vector<16xi32>
      %add3A_220 = arith.addi %get3A_63, %add3A_219 : vector<16xi32>
      %gather3A_221 = tpu.vector_load_idx %arg18[%add3A_60, %add3A_220] : memref<512x128xf32, #tpu.memory_space<vmem>>[vector<16xi32>, vector<16xi32>], vector<16xf32>,
      %mul3A_222 = arith.constant 16 : i32
      %mul3A_223 = arith.muli %scan3A_55, %mul3A_222 : i32
      %swap3A_224 = arith.constant 3 : i32
      %swap3A_225 = arith.constant 13 : i32
      %swap3A_226 = arith.index_cast %swap3A_224 : i32 to index
      %swap3A_227 = arith.index_cast %swap3A_225 : i32 to index
      %swap3A_228 = arith.index_cast %mul3A_223 : i32 to index
      %swap3A_229 = tpu.vector_load %arg19[%swap3A_226, %swap3A_227, %swap3A_228] {strides = array<i32>} : memref<4x16x512xf32, #tpu.memory_space<vmem>>, vector<16xf32>,
      tpu.vector_store %arg19[%swap3A_226, %swap3A_227, %swap3A_228], %gather3A_221 {strides = array<i32>} : memref<4x16x512xf32, #tpu.memory_space<vmem>>, vector<16xf32>,
      %add3A_230 = arith.constant 14 : i32
      %add3A_231 = vector.broadcast %add3A_230 : i32 to vector<16xi32>
      %add3A_232 = arith.addi %get3A_63, %add3A_231 : vector<16xi32>
      %gather3A_233 = tpu.vector_load_idx %arg18[%add3A_60, %add3A_232] : memref<512x128xf32, #tpu.memory_space<vmem>>[vector<16xi32>, vector<16xi32>], vector<16xf32>,
      %mul3A_234 = arith.constant 16 : i32
      %mul3A_235 = arith.muli %scan3A_55, %mul3A_234 : i32
      %swap3A_236 = arith.constant 3 : i32
      %swap3A_237 = arith.constant 14 : i32
      %swap3A_238 = arith.index_cast %swap3A_236 : i32 to index
      %swap3A_239 = arith.index_cast %swap3A_237 : i32 to index
      %swap3A_240 = arith.index_cast %mul3A_235 : i32 to index
      %swap3A_241 = tpu.vector_load %arg19[%swap3A_238, %swap3A_239, %swap3A_240] {strides = array<i32>} : memref<4x16x512xf32, #tpu.memory_space<vmem>>, vector<16xf32>,
      tpu.vector_store %arg19[%swap3A_238, %swap3A_239, %swap3A_240], %gather3A_233 {strides = array<i32>} : memref<4x16x512xf32, #tpu.memory_space<vmem>>, vector<16xf32>,
      %add3A_242 = arith.constant 15 : i32
      %add3A_243 = vector.broadcast %add3A_242 : i32 to vector<16xi32>
      %add3A_244 = arith.addi %get3A_63, %add3A_243 : vector<16xi32>
      %gather3A_245 = tpu.vector_load_idx %arg18[%add3A_60, %add3A_244] : memref<512x128xf32, #tpu.memory_space<vmem>>[vector<16xi32>, vector<16xi32>], vector<16xf32>,
      %mul3A_246 = arith.constant 16 : i32
      %mul3A_247 = arith.muli %scan3A_55, %mul3A_246 : i32
      %swap3A_248 = arith.constant 3 : i32
      %swap3A_249 = arith.constant 15 : i32
      %swap3A_250 = arith.index_cast %swap3A_248 : i32 to index
      %swap3A_251 = arith.index_cast %swap3A_249 : i32 to index
      %swap3A_252 = arith.index_cast %mul3A_247 : i32 to index
      %swap3A_253 = tpu.vector_load %arg19[%swap3A_250, %swap3A_251, %swap3A_252] {strides = array<i32>} : memref<4x16x512xf32, #tpu.memory_space<vmem>>, vector<16xf32>,
      tpu.vector_store %arg19[%swap3A_250, %swap3A_251, %swap3A_252], %gather3A_245 {strides = array<i32>} : memref<4x16x512xf32, #tpu.memory_space<vmem>>, vector<16xf32>,
      %scan3A_254 = arith.constant 0 : i32
      scf.yield %scan3A_254 : i32
    }
    %scan3A_51 = arith.constant 32 : i32
    %run_scoped3A = arith.constant 0 : i32
    "tpu.region"() ({
      %run_scoped3A_55 = tpu.sem_alloc : memref<!tpu.dma_semaphore, #tpu.memory_space<semaphore_mem>>
      %dma_start3A_56 = arith.constant 0 : i32
      %dma_start3A_57 = arith.constant 0 : i32
      %dma_start3A_58 = tpu.memref_slice %arg19[%run_scoped3A, %dma_start3A_56, %dma_start3A_57] : memref<4x16x512xf32, #tpu.memory_space<vmem>> -> memref<1x16x512xf32, #tpu.memory_space<vmem>>
      %dma_start3A_59 = tpu.memref_squeeze %dma_start3A_58 : memref<1x16x512xf32, #tpu.memory_space<vmem>> -> memref<16x512xf32, #tpu.memory_space<vmem>>
      %dma_start3A_60 = arith.constant 0 : i32
      %dma_start3A_61 = tpu.memref_slice %arg10[%dma_start3A_60, %mul3A_2] : memref<16x16384xf32, #tpu.memory_space<hbm>> -> memref<16x512xf32, #tpu.memory_space<hbm>>
      %dma_start3A_62 = arith.constant 0 : i32
      %dma_start3A_63 = tpu.memref_slice %arg10[%dma_start3A_62, %mul3A_2] : memref<16x16384xf32, #tpu.memory_space<hbm>> -> memref<16x512xf32, #tpu.memory_space<hbm>>
      %dma_start3A_64 = arith.constant 0 : i32
      %dma_start3A_65 = arith.constant 0 : i32
      %dma_start3A_66 = tpu.memref_slice %arg19[%run_scoped3A, %dma_start3A_64, %dma_start3A_65] : memref<4x16x512xf32, #tpu.memory_space<vmem>> -> memref<1x16x512xf32, #tpu.memory_space<vmem>>
      %dma_start3A_67 = tpu.memref_squeeze %dma_start3A_66 : memref<1x16x512xf32, #tpu.memory_space<vmem>> -> memref<16x512xf32, #tpu.memory_space<vmem>>
      tpu.enqueue_dma source(%dma_start3A_67 : memref<16x512xf32, #tpu.memory_space<vmem>>) target(%dma_start3A_63 : memref<16x512xf32, #tpu.memory_space<hbm>>) target_semaphore(%run_scoped3A_55 : memref<!tpu.dma_semaphore, #tpu.memory_space<semaphore_mem>>)
      %dma_wait3A_68 = arith.constant 0 : i32
      %dma_wait3A_69 = arith.constant 0 : i32
      %dma_wait3A_70 = tpu.memref_slice %arg19[%run_scoped3A, %dma_wait3A_68, %dma_wait3A_69] : memref<4x16x512xf32, #tpu.memory_space<vmem>> -> memref<1x16x512xf32, #tpu.memory_space<vmem>>
      %dma_wait3A_71 = tpu.memref_squeeze %dma_wait3A_70 : memref<1x16x512xf32, #tpu.memory_space<vmem>> -> memref<16x512xf32, #tpu.memory_space<vmem>>
      %dma_wait3A_72 = arith.constant 0 : i32
      %dma_wait3A_73 = tpu.memref_slice %arg10[%dma_wait3A_72, %mul3A_2] : memref<16x16384xf32, #tpu.memory_space<hbm>> -> memref<16x512xf32, #tpu.memory_space<hbm>>
      %dma_wait3A_74 = arith.constant 0 : i32
      %dma_wait3A_75 = tpu.memref_slice %arg10[%dma_wait3A_74, %mul3A_2] : memref<16x16384xf32, #tpu.memory_space<hbm>> -> memref<16x512xf32, #tpu.memory_space<hbm>>
      %dma_wait3A_76 = arith.constant 0 : i32
      %dma_wait3A_77 = arith.constant 0 : i32
      %dma_wait3A_78 = tpu.memref_slice %arg19[%run_scoped3A, %dma_wait3A_76, %dma_wait3A_77] : memref<4x16x512xf32, #tpu.memory_space<vmem>> -> memref<1x16x512xf32, #tpu.memory_space<vmem>>
      %dma_wait3A_79 = tpu.memref_squeeze %dma_wait3A_78 : memref<1x16x512xf32, #tpu.memory_space<vmem>> -> memref<16x512xf32, #tpu.memory_space<vmem>>
      tpu.wait_dma2 semaphore(%run_scoped3A_55 : memref<!tpu.dma_semaphore, #tpu.memory_space<semaphore_mem>>) src(%dma_wait3A_79 : memref<16x512xf32, #tpu.memory_space<vmem>>) dst(%dma_wait3A_75 : memref<16x512xf32, #tpu.memory_space<hbm>>)
      tpu.yield
    }) : () -> ()
    %run_scoped3A_52 = arith.constant 1 : i32
    "tpu.region"() ({
      %run_scoped3A_55 = tpu.sem_alloc : memref<!tpu.dma_semaphore, #tpu.memory_space<semaphore_mem>>
      %dma_start3A_56 = arith.constant 0 : i32
      %dma_start3A_57 = arith.constant 0 : i32
      %dma_start3A_58 = tpu.memref_slice %arg19[%run_scoped3A_52, %dma_start3A_56, %dma_start3A_57] : memref<4x16x512xf32, #tpu.memory_space<vmem>> -> memref<1x16x512xf32, #tpu.memory_space<vmem>>
      %dma_start3A_59 = tpu.memref_squeeze %dma_start3A_58 : memref<1x16x512xf32, #tpu.memory_space<vmem>> -> memref<16x512xf32, #tpu.memory_space<vmem>>
      %dma_start3A_60 = arith.constant 0 : i32
      %dma_start3A_61 = tpu.memref_slice %arg11[%dma_start3A_60, %mul3A_2] : memref<16x16384xf32, #tpu.memory_space<hbm>> -> memref<16x512xf32, #tpu.memory_space<hbm>>
      %dma_start3A_62 = arith.constant 0 : i32
      %dma_start3A_63 = tpu.memref_slice %arg11[%dma_start3A_62, %mul3A_2] : memref<16x16384xf32, #tpu.memory_space<hbm>> -> memref<16x512xf32, #tpu.memory_space<hbm>>
      %dma_start3A_64 = arith.constant 0 : i32
      %dma_start3A_65 = arith.constant 0 : i32
      %dma_start3A_66 = tpu.memref_slice %arg19[%run_scoped3A_52, %dma_start3A_64, %dma_start3A_65] : memref<4x16x512xf32, #tpu.memory_space<vmem>> -> memref<1x16x512xf32, #tpu.memory_space<vmem>>
      %dma_start3A_67 = tpu.memref_squeeze %dma_start3A_66 : memref<1x16x512xf32, #tpu.memory_space<vmem>> -> memref<16x512xf32, #tpu.memory_space<vmem>>
      tpu.enqueue_dma source(%dma_start3A_67 : memref<16x512xf32, #tpu.memory_space<vmem>>) target(%dma_start3A_63 : memref<16x512xf32, #tpu.memory_space<hbm>>) target_semaphore(%run_scoped3A_55 : memref<!tpu.dma_semaphore, #tpu.memory_space<semaphore_mem>>)
      %dma_wait3A_68 = arith.constant 0 : i32
      %dma_wait3A_69 = arith.constant 0 : i32
      %dma_wait3A_70 = tpu.memref_slice %arg19[%run_scoped3A_52, %dma_wait3A_68, %dma_wait3A_69] : memref<4x16x512xf32, #tpu.memory_space<vmem>> -> memref<1x16x512xf32, #tpu.memory_space<vmem>>
      %dma_wait3A_71 = tpu.memref_squeeze %dma_wait3A_70 : memref<1x16x512xf32, #tpu.memory_space<vmem>> -> memref<16x512xf32, #tpu.memory_space<vmem>>
      %dma_wait3A_72 = arith.constant 0 : i32
      %dma_wait3A_73 = tpu.memref_slice %arg11[%dma_wait3A_72, %mul3A_2] : memref<16x16384xf32, #tpu.memory_space<hbm>> -> memref<16x512xf32, #tpu.memory_space<hbm>>
      %dma_wait3A_74 = arith.constant 0 : i32
      %dma_wait3A_75 = tpu.memref_slice %arg11[%dma_wait3A_74, %mul3A_2] : memref<16x16384xf32, #tpu.memory_space<hbm>> -> memref<16x512xf32, #tpu.memory_space<hbm>>
      %dma_wait3A_76 = arith.constant 0 : i32
      %dma_wait3A_77 = arith.constant 0 : i32
      %dma_wait3A_78 = tpu.memref_slice %arg19[%run_scoped3A_52, %dma_wait3A_76, %dma_wait3A_77] : memref<4x16x512xf32, #tpu.memory_space<vmem>> -> memref<1x16x512xf32, #tpu.memory_space<vmem>>
      %dma_wait3A_79 = tpu.memref_squeeze %dma_wait3A_78 : memref<1x16x512xf32, #tpu.memory_space<vmem>> -> memref<16x512xf32, #tpu.memory_space<vmem>>
      tpu.wait_dma2 semaphore(%run_scoped3A_55 : memref<!tpu.dma_semaphore, #tpu.memory_space<semaphore_mem>>) src(%dma_wait3A_79 : memref<16x512xf32, #tpu.memory_space<vmem>>) dst(%dma_wait3A_75 : memref<16x512xf32, #tpu.memory_space<hbm>>)
      tpu.yield
    }) : () -> ()
    %run_scoped3A_53 = arith.constant 2 : i32
    "tpu.region"() ({
      %run_scoped3A_55 = tpu.sem_alloc : memref<!tpu.dma_semaphore, #tpu.memory_space<semaphore_mem>>
      %dma_start3A_56 = arith.constant 0 : i32
      %dma_start3A_57 = arith.constant 0 : i32
      %dma_start3A_58 = tpu.memref_slice %arg19[%run_scoped3A_53, %dma_start3A_56, %dma_start3A_57] : memref<4x16x512xf32, #tpu.memory_space<vmem>> -> memref<1x16x512xf32, #tpu.memory_space<vmem>>
      %dma_start3A_59 = tpu.memref_squeeze %dma_start3A_58 : memref<1x16x512xf32, #tpu.memory_space<vmem>> -> memref<16x512xf32, #tpu.memory_space<vmem>>
      %dma_start3A_60 = arith.constant 0 : i32
      %dma_start3A_61 = tpu.memref_slice %arg12[%dma_start3A_60, %mul3A_2] : memref<16x16384xf32, #tpu.memory_space<hbm>> -> memref<16x512xf32, #tpu.memory_space<hbm>>
      %dma_start3A_62 = arith.constant 0 : i32
      %dma_start3A_63 = tpu.memref_slice %arg12[%dma_start3A_62, %mul3A_2] : memref<16x16384xf32, #tpu.memory_space<hbm>> -> memref<16x512xf32, #tpu.memory_space<hbm>>
      %dma_start3A_64 = arith.constant 0 : i32
      %dma_start3A_65 = arith.constant 0 : i32
      %dma_start3A_66 = tpu.memref_slice %arg19[%run_scoped3A_53, %dma_start3A_64, %dma_start3A_65] : memref<4x16x512xf32, #tpu.memory_space<vmem>> -> memref<1x16x512xf32, #tpu.memory_space<vmem>>
      %dma_start3A_67 = tpu.memref_squeeze %dma_start3A_66 : memref<1x16x512xf32, #tpu.memory_space<vmem>> -> memref<16x512xf32, #tpu.memory_space<vmem>>
      tpu.enqueue_dma source(%dma_start3A_67 : memref<16x512xf32, #tpu.memory_space<vmem>>) target(%dma_start3A_63 : memref<16x512xf32, #tpu.memory_space<hbm>>) target_semaphore(%run_scoped3A_55 : memref<!tpu.dma_semaphore, #tpu.memory_space<semaphore_mem>>)
      %dma_wait3A_68 = arith.constant 0 : i32
      %dma_wait3A_69 = arith.constant 0 : i32
      %dma_wait3A_70 = tpu.memref_slice %arg19[%run_scoped3A_53, %dma_wait3A_68, %dma_wait3A_69] : memref<4x16x512xf32, #tpu.memory_space<vmem>> -> memref<1x16x512xf32, #tpu.memory_space<vmem>>
      %dma_wait3A_71 = tpu.memref_squeeze %dma_wait3A_70 : memref<1x16x512xf32, #tpu.memory_space<vmem>> -> memref<16x512xf32, #tpu.memory_space<vmem>>
      %dma_wait3A_72 = arith.constant 0 : i32
      %dma_wait3A_73 = tpu.memref_slice %arg12[%dma_wait3A_72, %mul3A_2] : memref<16x16384xf32, #tpu.memory_space<hbm>> -> memref<16x512xf32, #tpu.memory_space<hbm>>
      %dma_wait3A_74 = arith.constant 0 : i32
      %dma_wait3A_75 = tpu.memref_slice %arg12[%dma_wait3A_74, %mul3A_2] : memref<16x16384xf32, #tpu.memory_space<hbm>> -> memref<16x512xf32, #tpu.memory_space<hbm>>
      %dma_wait3A_76 = arith.constant 0 : i32
      %dma_wait3A_77 = arith.constant 0 : i32
      %dma_wait3A_78 = tpu.memref_slice %arg19[%run_scoped3A_53, %dma_wait3A_76, %dma_wait3A_77] : memref<4x16x512xf32, #tpu.memory_space<vmem>> -> memref<1x16x512xf32, #tpu.memory_space<vmem>>
      %dma_wait3A_79 = tpu.memref_squeeze %dma_wait3A_78 : memref<1x16x512xf32, #tpu.memory_space<vmem>> -> memref<16x512xf32, #tpu.memory_space<vmem>>
      tpu.wait_dma2 semaphore(%run_scoped3A_55 : memref<!tpu.dma_semaphore, #tpu.memory_space<semaphore_mem>>) src(%dma_wait3A_79 : memref<16x512xf32, #tpu.memory_space<vmem>>) dst(%dma_wait3A_75 : memref<16x512xf32, #tpu.memory_space<hbm>>)
      tpu.yield
    }) : () -> ()
    %run_scoped3A_54 = arith.constant 3 : i32
    "tpu.region"() ({
      %run_scoped3A_55 = tpu.sem_alloc : memref<!tpu.dma_semaphore, #tpu.memory_space<semaphore_mem>>
      %dma_start3A_56 = arith.constant 0 : i32
      %dma_start3A_57 = arith.constant 0 : i32
      %dma_start3A_58 = tpu.memref_slice %arg19[%run_scoped3A_54, %dma_start3A_56, %dma_start3A_57] : memref<4x16x512xf32, #tpu.memory_space<vmem>> -> memref<1x16x512xf32, #tpu.memory_space<vmem>>
      %dma_start3A_59 = tpu.memref_squeeze %dma_start3A_58 : memref<1x16x512xf32, #tpu.memory_space<vmem>> -> memref<16x512xf32, #tpu.memory_space<vmem>>
      %dma_start3A_60 = arith.constant 0 : i32
      %dma_start3A_61 = tpu.memref_slice %arg13[%dma_start3A_60, %mul3A_2] : memref<16x16384xf32, #tpu.memory_space<hbm>> -> memref<16x512xf32, #tpu.memory_space<hbm>>
      %dma_start3A_62 = arith.constant 0 : i32
      %dma_start3A_63 = tpu.memref_slice %arg13[%dma_start3A_62, %mul3A_2] : memref<16x16384xf32, #tpu.memory_space<hbm>> -> memref<16x512xf32, #tpu.memory_space<hbm>>
      %dma_start3A_64 = arith.constant 0 : i32
      %dma_start3A_65 = arith.constant 0 : i32
      %dma_start3A_66 = tpu.memref_slice %arg19[%run_scoped3A_54, %dma_start3A_64, %dma_start3A_65] : memref<4x16x512xf32, #tpu.memory_space<vmem>> -> memref<1x16x512xf32, #tpu.memory_space<vmem>>
      %dma_start3A_67 = tpu.memref_squeeze %dma_start3A_66 : memref<1x16x512xf32, #tpu.memory_space<vmem>> -> memref<16x512xf32, #tpu.memory_space<vmem>>
      tpu.enqueue_dma source(%dma_start3A_67 : memref<16x512xf32, #tpu.memory_space<vmem>>) target(%dma_start3A_63 : memref<16x512xf32, #tpu.memory_space<hbm>>) target_semaphore(%run_scoped3A_55 : memref<!tpu.dma_semaphore, #tpu.memory_space<semaphore_mem>>)
      %dma_wait3A_68 = arith.constant 0 : i32
      %dma_wait3A_69 = arith.constant 0 : i32
      %dma_wait3A_70 = tpu.memref_slice %arg19[%run_scoped3A_54, %dma_wait3A_68, %dma_wait3A_69] : memref<4x16x512xf32, #tpu.memory_space<vmem>> -> memref<1x16x512xf32, #tpu.memory_space<vmem>>
      %dma_wait3A_71 = tpu.memref_squeeze %dma_wait3A_70 : memref<1x16x512xf32, #tpu.memory_space<vmem>> -> memref<16x512xf32, #tpu.memory_space<vmem>>
      %dma_wait3A_72 = arith.constant 0 : i32
      %dma_wait3A_73 = tpu.memref_slice %arg13[%dma_wait3A_72, %mul3A_2] : memref<16x16384xf32, #tpu.memory_space<hbm>> -> memref<16x512xf32, #tpu.memory_space<hbm>>
      %dma_wait3A_74 = arith.constant 0 : i32
      %dma_wait3A_75 = tpu.memref_slice %arg13[%dma_wait3A_74, %mul3A_2] : memref<16x16384xf32, #tpu.memory_space<hbm>> -> memref<16x512xf32, #tpu.memory_space<hbm>>
      %dma_wait3A_76 = arith.constant 0 : i32
      %dma_wait3A_77 = arith.constant 0 : i32
      %dma_wait3A_78 = tpu.memref_slice %arg19[%run_scoped3A_54, %dma_wait3A_76, %dma_wait3A_77] : memref<4x16x512xf32, #tpu.memory_space<vmem>> -> memref<1x16x512xf32, #tpu.memory_space<vmem>>
      %dma_wait3A_79 = tpu.memref_squeeze %dma_wait3A_78 : memref<1x16x512xf32, #tpu.memory_space<vmem>> -> memref<16x512xf32, #tpu.memory_space<vmem>>
      tpu.wait_dma2 semaphore(%run_scoped3A_55 : memref<!tpu.dma_semaphore, #tpu.memory_space<semaphore_mem>>) src(%dma_wait3A_79 : memref<16x512xf32, #tpu.memory_space<vmem>>) dst(%dma_wait3A_75 : memref<16x512xf32, #tpu.memory_space<hbm>>)
      tpu.yield
    }) : () -> ()
    return
  }
}

module attributes {stable_mosaic.version = 14 : i64} {
  func.func @_repack_body(%arg0: i32, %arg1: memref<1000x8x16xf32, #tpu.memory_space<vmem>>, %arg2: memref<1000x128xf32, #tpu.memory_space<vmem>>) attributes {dimension_semantics = [#tpu.dimension_semantics<arbitrary>], iteration_bounds = array<i64: 125>, scalar_prefetch = 0 : i64, scratch_operands = 0 : i64, tpu.core_type = #tpu.core_type<tc>, window_params = [{transform_indices = @transform_0, window_bounds = array<i64: 1000, 8, 16>}, {transform_indices = @transform_1, window_bounds = array<i64: 1000, 128>}]} {
    %get3A = arith.constant 0 : index
    %get3A_0 = arith.constant 0 : index
    %get3A_1 = arith.constant 0 : index
    %get3A_2 = vector.load %arg1[%get3A, %get3A_0, %get3A_1] : memref<1000x8x16xf32, #tpu.memory_space<vmem>>, vector<1000x8x16xf32>
    %reshape3A = vector.shape_cast %get3A_2 : vector<1000x8x16xf32> to vector<1000x128xf32>
    %swap3A = arith.constant 0 : index
    %swap3A_3 = arith.constant 0 : index
    %swap3A_4 = vector.load %arg2[%swap3A, %swap3A_3] : memref<1000x128xf32, #tpu.memory_space<vmem>>, vector<1000x128xf32>
    tpu.vector_store %arg2[%swap3A, %swap3A_3], %reshape3A {strides = array<i32>} : memref<1000x128xf32, #tpu.memory_space<vmem>>, vector<1000x128xf32>,
    return
  }
  func.func @transform_0(%arg0: i32) -> (i32, i32, i32) {
    %c0_i32 = arith.constant 0 : i32
    %c0_i32_0 = arith.constant 0 : i32
    %c0_i32_1 = arith.constant 0 : i32
    return %arg0, %c0_i32, %c0_i32_0 : i32, i32, i32
  }
  func.func @transform_1(%arg0: i32) -> (i32, i32) {
    %c0_i32 = arith.constant 0 : i32
    %c0_i32_0 = arith.constant 0 : i32
    return %arg0, %c0_i32 : i32, i32
  }
}

module attributes {stable_mosaic.version = 14 : i64} {
  func.func @_tc_body(%arg0: i32, %arg1: memref<16x4096xf32, #tpu.memory_space<vmem>>, %arg2: memref<16x4096xf32, #tpu.memory_space<vmem>>, %arg3: memref<16x4096xf32, #tpu.memory_space<vmem>>, %arg4: memref<16x4096xf32, #tpu.memory_space<vmem>>, %arg5: memref<16x32xf32, #tpu.memory_space<vmem>>, %arg6: memref<16x1xf32, #tpu.memory_space<vmem>>, %arg7: memref<1x32xf32, #tpu.memory_space<vmem>>, %arg8: memref<1x1xf32, #tpu.memory_space<vmem>>, %arg9: memref<1x4096xf32, #tpu.memory_space<vmem>>) attributes {dimension_semantics = [#tpu.dimension_semantics<arbitrary>], iteration_bounds = array<i64: 4>, scalar_prefetch = 0 : i64, scratch_operands = 0 : i64, tpu.core_type = #tpu.core_type<tc>, window_params = [{transform_indices = @transform_0, window_bounds = array<i64: 16, 4096>}, {transform_indices = @transform_1, window_bounds = array<i64: 16, 4096>}, {transform_indices = @transform_2, window_bounds = array<i64: 16, 4096>}, {transform_indices = @transform_3, window_bounds = array<i64: 16, 4096>}, {pipeline_mode = #tpu.pipeline_mode<synchronous>, transform_indices = @transform_4, window_bounds = array<i64: 16, 32>}, {pipeline_mode = #tpu.pipeline_mode<synchronous>, transform_indices = @transform_5, window_bounds = array<i64: 16, 1>}, {pipeline_mode = #tpu.pipeline_mode<synchronous>, transform_indices = @transform_6, window_bounds = array<i64: 1, 32>}, {pipeline_mode = #tpu.pipeline_mode<synchronous>, transform_indices = @transform_7, window_bounds = array<i64: 1, 1>}, {transform_indices = @transform_8, window_bounds = array<i64: 1, 4096>}]} {
    %get3A = arith.constant 0 : index
    %get3A_0 = arith.constant 0 : index
    %get3A_1 = vector.load %arg1[%get3A, %get3A_0] : memref<16x4096xf32, #tpu.memory_space<vmem>>, vector<16x4096xf32>
    %get3A_2 = arith.constant 0 : index
    %get3A_3 = arith.constant 0 : index
    %get3A_4 = vector.load %arg2[%get3A_2, %get3A_3] : memref<16x4096xf32, #tpu.memory_space<vmem>>, vector<16x4096xf32>
    %mul3A = arith.mulf %get3A_1, %get3A_4 : vector<16x4096xf32>
    %get3A_5 = arith.constant 0 : index
    %get3A_6 = arith.constant 0 : index
    %get3A_7 = vector.load %arg3[%get3A_5, %get3A_6] : memref<16x4096xf32, #tpu.memory_space<vmem>>, vector<16x4096xf32>
    %get3A_8 = arith.constant 0 : index
    %get3A_9 = arith.constant 0 : index
    %get3A_10 = vector.load %arg4[%get3A_8, %get3A_9] : memref<16x4096xf32, #tpu.memory_space<vmem>>, vector<16x4096xf32>
    %concatenate3A = tpu.concatenate %get3A_7, %get3A_10 in 0 : vector<16x4096xf32>, vector<16x4096xf32> -> vector<32x4096xf32>
    %get3A_11 = arith.constant 0 : index
    %get3A_12 = arith.constant 0 : index
    %get3A_13 = vector.load %arg5[%get3A_11, %get3A_12] : memref<16x32xf32, #tpu.memory_space<vmem>>, vector<16x32xf32>
    %dot_general3A = arith.constant dense<0.000000e+00> : vector<16x4096xf32>
    %dot_general3A_14 = tpu.matmul %get3A_13, %concatenate3A, %dot_general3A {dimension_numbers = #tpu.dot_dimension_numbers<[1], [0], [0], [1], [0, 0, 1, 1], [], []>, transpose_lhs_hint = false} : vector<16x32xf32>, vector<32x4096xf32>, vector<16x4096xf32> -> vector<16x4096xf32>
    %get3A_15 = arith.constant 0 : index
    %get3A_16 = arith.constant 0 : index
    %get3A_17 = vector.load %arg6[%get3A_15, %get3A_16] : memref<16x1xf32, #tpu.memory_space<vmem>>, vector<16x1xf32>
    %add3A = vector.broadcast %get3A_17 : vector<16x1xf32> to vector<16x4096xf32>
    %add3A_18 = arith.addf %dot_general3A_14, %add3A : vector<16x4096xf32>
    %max3A = arith.constant 0.000000e+00 : f32
    %max3A_19 = vector.broadcast %max3A : f32 to vector<16x4096xf32>
    %max3A_20 = arith.maximumf %add3A_18, %max3A_19 : vector<16x4096xf32>
    %concatenate3A_21 = tpu.concatenate %mul3A, %max3A_20 in 0 : vector<16x4096xf32>, vector<16x4096xf32> -> vector<32x4096xf32>
    %get3A_22 = arith.constant 0 : index
    %get3A_23 = arith.constant 0 : index
    %get3A_24 = vector.load %arg7[%get3A_22, %get3A_23] : memref<1x32xf32, #tpu.memory_space<vmem>>, vector<1x32xf32>
    %dot_general3A_25 = arith.constant dense<0.000000e+00> : vector<1x4096xf32>
    %dot_general3A_26 = tpu.matmul %get3A_24, %concatenate3A_21, %dot_general3A_25 {dimension_numbers = #tpu.dot_dimension_numbers<[1], [0], [0], [1], [0, 0, 1, 1], [], []>, transpose_lhs_hint = false} : vector<1x32xf32>, vector<32x4096xf32>, vector<1x4096xf32> -> vector<1x4096xf32>
    %get3A_27 = arith.constant 0 : index
    %get3A_28 = arith.constant 0 : index
    %get3A_29 = vector.load %arg8[%get3A_27, %get3A_28] : memref<1x1xf32, #tpu.memory_space<vmem>>, vector<1x1xf32>
    %add3A_30 = vector.broadcast %get3A_29 : vector<1x1xf32> to vector<1x4096xf32>
    %add3A_31 = arith.addf %dot_general3A_26, %add3A_30 : vector<1x4096xf32>
    %neg3A = arith.constant 0.000000e+00 : f32
    %neg3A_32 = vector.broadcast %neg3A : f32 to vector<1x4096xf32>
    %neg3A_33 = arith.subf %neg3A_32, %add3A_31 : vector<1x4096xf32>
    %exp3A = math.exp %neg3A_33 : vector<1x4096xf32>
    %add3A_34 = arith.constant 1.000000e+00 : f32
    %add3A_35 = vector.broadcast %add3A_34 : f32 to vector<1x4096xf32>
    %add3A_36 = arith.addf %add3A_35, %exp3A : vector<1x4096xf32>
    %div3A = arith.constant 1.000000e+00 : f32
    %div3A_37 = vector.broadcast %div3A : f32 to vector<1x4096xf32>
    %div3A_38 = arith.divf %div3A_37, %add3A_36 : vector<1x4096xf32>
    %swap3A = arith.constant 0 : index
    %swap3A_39 = arith.constant 0 : index
    %swap3A_40 = vector.load %arg9[%swap3A, %swap3A_39] : memref<1x4096xf32, #tpu.memory_space<vmem>>, vector<1x4096xf32>
    tpu.vector_store %arg9[%swap3A, %swap3A_39], %div3A_38 {strides = array<i32>} : memref<1x4096xf32, #tpu.memory_space<vmem>>, vector<1x4096xf32>,
    return
  }
  func.func @transform_0(%arg0: i32) -> (i32, i32) {
    %c0_i32 = arith.constant 0 : i32
    %c0_i32_0 = arith.constant 0 : i32
    return %c0_i32, %arg0 : i32, i32
  }
  func.func @transform_1(%arg0: i32) -> (i32, i32) {
    %c0_i32 = arith.constant 0 : i32
    %c0_i32_0 = arith.constant 0 : i32
    return %c0_i32, %arg0 : i32, i32
  }
  func.func @transform_2(%arg0: i32) -> (i32, i32) {
    %c0_i32 = arith.constant 0 : i32
    %c0_i32_0 = arith.constant 0 : i32
    return %c0_i32, %arg0 : i32, i32
  }
  func.func @transform_3(%arg0: i32) -> (i32, i32) {
    %c0_i32 = arith.constant 0 : i32
    %c0_i32_0 = arith.constant 0 : i32
    return %c0_i32, %arg0 : i32, i32
  }
  func.func @transform_4(%arg0: i32) -> (i32, i32) {
    %c0_i32 = arith.constant 0 : i32
    %c0_i32_0 = arith.constant 0 : i32
    %c0_i32_1 = arith.constant 0 : i32
    return %c0_i32, %c0_i32_0 : i32, i32
  }
  func.func @transform_5(%arg0: i32) -> (i32, i32) {
    %c0_i32 = arith.constant 0 : i32
    %c0_i32_0 = arith.constant 0 : i32
    %c0_i32_1 = arith.constant 0 : i32
    return %c0_i32, %c0_i32_0 : i32, i32
  }
  func.func @transform_6(%arg0: i32) -> (i32, i32) {
    %c0_i32 = arith.constant 0 : i32
    %c0_i32_0 = arith.constant 0 : i32
    %c0_i32_1 = arith.constant 0 : i32
    return %c0_i32, %c0_i32_0 : i32, i32
  }
  func.func @transform_7(%arg0: i32) -> (i32, i32) {
    %c0_i32 = arith.constant 0 : i32
    %c0_i32_0 = arith.constant 0 : i32
    %c0_i32_1 = arith.constant 0 : i32
    return %c0_i32, %c0_i32_0 : i32, i32
  }
  func.func @transform_8(%arg0: i32) -> (i32, i32) {
    %c0_i32 = arith.constant 0 : i32
    %c0_i32_0 = arith.constant 0 : i32
    return %c0_i32, %arg0 : i32, i32
  }
}

</mosaic_0001>

<sc_bundles>
// kernel: kernel.8.cloned.1.call-start
scs
__scs_entry_jumppad:
0x0: {  	(pc) =	sbr.rel $0x88, $3  }
0x1: {  	(tag) =	ssettag $0x0;
	lr =	simm.s32 $0x1  }
0x2: {  	[smem:$0x3F97] =	sst lr;
	_ =	strace $0xD0000000  }
0x3: {  	_ = 	snop  }
0x4: {  	_ = 	snop  }
0x5: {  	_ = 	snop  }
0x6: {  	_ = 	snop  }
0x7: {  	_ = 	snop  }
__scs_overlays_trampoline_lowered:
0x8: {  	[smem:$0x3FA6] =	sst s0  }
0x9: {  	[smem:$0x3FA7] =	sst s1  }
0xa: {  	[smem:$0x3FA8] =	sst s2  }
0xb: {  	[smem:$0x3FA9] =	sst s3  }
0xc: {  	[smem:$0x3FAA] =	sst s4  }
0xd: {  	[smem:$0x3FAB] =	sst s5  }
0xe: {  	[smem:$0x3FAC] =	sst s6  }
0xf: {  	[smem:$0x3FAD] =	sst s7  }
0x10: {  	[smem:$0x3FAE] =	sst s8  }
0x11: {  	[smem:$0x3FAF] =	sst s9;
	s0 =	simm.s32 @!p0 $0x0  }
0x12: {  	s1 =	sld [smem:$0x3F95];
	s0 =	simm.s32 @p0 $0x1  }
0x13: {  	[smem:$0x3FB0] =	sst s0;
	s0 =	simm.s32 @!p1 $0x0  }
0x14: {  	s2 =	sld [smem:$0x3F94];
	s0 =	simm.s32 @p1 $0x1  }
0x15: {  	[smem:$0x3FB1] =	sst s0;
	s0 =	simm.s32 @!p2 $0x0  }
0x16: {  	s3 =	sld [smem:$0x3FDB];
	s0 =	simm.s32 @p2 $0x1  }
0x17: {  	s4 =	simm.s32 $0x1BF5;
	[smem:$0x3FB3] =	sst s0  }
0x18: {  	s0 =	sld [smem:$0x3F96];
	_ =	swait.ge [sflag:s4], $0x0  }
0x19: {  	s7 =	sld [smem:$0x3F97]  }
0x1a: {  	s8 =	sadd.s32 $0xFFFFE003, lr  }
0x1b: {  	s9 =	sadd.s32 $0xFFFFFEF7, lr;
	s5 =	simm.s32 $0xFFFFFFFF;
	p2 =	slt.u32 s8, $0xFFFFF086  }
0x1c: {  	p1 =	slt.u32 s9, $0xF7A;
	s5 =	simm.s32 @!p2 $0x0  }
0x1d: {  	s5 =	simm.s32 @p1 $0x1;
	p0 =	seq.s32 s7, s2  }
0x1e: {  	s7 =	smul.u32 @!p0 $0xF7A, s2;
	p2 =	seq.s32 @!p0 s5, $0x0  }
0x1f: {  	s9 =	smul.u32 $0xF7A, s1;
	s8 =	simm.s32 @!p0 $0x1BF5;
	p2 =	por !p2, p0  }
0x20: {  	[sflag:s8] =	ssyncset.s32 @!p0 $0xFFFFF086;
	s6 =	sadd.s32 @!p0 s3, s7;
	s7 =	simm.s32 @!p0 $0x108  }
0x21: {  	s3 =	sadd.s32 s3, s9;
	s6 =	sadd.s32 @!p0 $0x88, s6;
	s7 =	simm.s32 @p2 $0x1082  }
0x22: {  	[simem:s7], [sflag:s8] =	dma.local @!p0 [hbm:s6], $0xF7A  }
0x23: {  	s9 =	sor.u32 $0xD0000000, s2;
	s6 =	simm.s32 $0x108;
	_ =	swait.ge @!p0 [sflag:s8], $0x0  }
0x24: {  	s3 =	sadd.s32 $0x88, s3;
	s6 =	simm.s32 @!p1 $0x1082;
	[sflag:s4] =	ssyncset.s32 $0xFFFFF086  }
0x25: {  	[simem:s6], [sflag:s4] =	dma.local [hbm:s3], $0xF7A  }
0x26: {  	[smem:$0x3F97] =	sst s1;
	(tag) =	ssettag s2;
	_ =	strace s9  }
0x27: {  	s1 =	sld [smem:$0x3FA7]  }
0x28: {  	s2 =	sld [smem:$0x3FA8]  }
0x29: {  	s4 =	sld [smem:$0x3FAA]  }
0x2a: {  	p0 =	seq.s32 s5, $0x0;
	s5 =	sld [smem:$0x3FAB]  }
0x2b: {  	s6 =	sld [smem:$0x3FAC]  }
0x2c: {  	s7 =	sld [smem:$0x3FAD]  }
0x2d: {  	s3 =	simm.s32 $0x108;
	s8 =	sld [smem:$0x3FAE]  }
0x2e: {  	s3 =	simm.s32 @!p0 $0x1082;
	s9 =	sld [smem:$0x3FAF]  }
0x2f: {  	lr =	sadd.s32 s0, s3;
	s0 =	sld [smem:$0x3FA6]  }
0x30: {  	s3 =	sld [smem:$0x3FA9]  }
0x31: {  	[smem:$0x3FB2] =	sst s10  }
0x32: {  	s10 =	sld [smem:$0x3FB0];
	_ =	sdelay $0x3  }
0x33: {  	p0 =	seq.s32 s10, $0x1;
	s10 =	sld [smem:$0x3FB2];
	_ =	sdelay $0x3  }
0x34: {  	[smem:$0x3FB2] =	sst s10  }
0x35: {  	s10 =	sld [smem:$0x3FB1];
	_ =	sdelay $0x3  }
0x36: {  	p1 =	seq.s32 s10, $0x1;
	s10 =	sld [smem:$0x3FB2];
	_ =	sdelay $0x3  }
0x37: {  	[smem:$0x3FB2] =	sst s10  }
0x38: {  	s10 =	sld [smem:$0x3FB3]  }
0x39: {  	_ = 	snop;
	(pc) =	sbr.ind lr, $3  }
0x3a: {  	_ = 	snop  }
0x3b: {  	_ = 	snop  }
0x3c: {  	p2 =	seq.s32 s10, $0x1;
	s10 =	sld [smem:$0x3FB2]  }
0x3d: {  	_ =	shalt  }
0x3e: {  	_ =	shalt  }
0x3f: {  	_ =	shalt  }
0x40: {  	_ =	shalt  }
0x41: {  	_ =	shalt  }
0x42: {  	_ =	shalt  }
0x43: {  	_ =	shalt  }
0x44: {  	_ =	shalt  }
0x45: {  	_ =	shalt  }
0x46: {  	_ =	shalt  }
0x47: {  	_ =	shalt  }
0x48: {  	_ =	shalt  }
0x49: {  	_ =	shalt  }
0x4a: {  	_ =	shalt  }
0x4b: {  	_ =	shalt  }
0x4c: {  	_ =	shalt  }
0x4d: {  	_ =	shalt  }
0x4e: {  	_ =	shalt  }
0x4f: {  	_ =	shalt  }
0x50: {  	_ =	shalt  }
0x51: {  	_ =	shalt  }
0x52: {  	_ =	shalt  }
0x53: {  	_ =	shalt  }
0x54: {  	_ =	shalt  }
0x55: {  	_ =	shalt  }
0x56: {  	_ =	shalt  }
0x57: {  	_ =	shalt  }
0x58: {  	_ =	shalt  }
0x59: {  	_ =	shalt  }
0x5a: {  	_ =	shalt  }
0x5b: {  	_ =	shalt  }
0x5c: {  	_ =	shalt  }
0x5d: {  	_ =	shalt  }
0x5e: {  	_ =	shalt  }
0x5f: {  	_ =	shalt  }
0x60: {  	_ =	shalt  }
0x61: {  	_ =	shalt  }
0x62: {  	_ =	shalt  }
0x63: {  	_ =	shalt  }
0x64: {  	_ =	shalt  }
0x65: {  	_ =	shalt  }
0x66: {  	_ =	shalt  }
0x67: {  	_ =	shalt  }
0x68: {  	_ =	shalt  }
0x69: {  	_ =	shalt  }
0x6a: {  	_ =	shalt  }
0x6b: {  	_ =	shalt  }
0x6c: {  	_ =	shalt  }
0x6d: {  	_ =	shalt  }
0x6e: {  	_ =	shalt  }
0x6f: {  	_ =	shalt  }
0x70: {  	_ =	shalt  }
0x71: {  	_ =	shalt  }
0x72: {  	_ =	shalt  }
0x73: {  	_ =	shalt  }
0x74: {  	_ =	shalt  }
0x75: {  	_ =	shalt  }
0x76: {  	_ =	shalt  }
0x77: {  	_ =	shalt  }
0x78: {  	_ =	shalt  }
0x79: {  	_ =	shalt  }
0x7a: {  	_ =	shalt  }
0x7b: {  	_ =	shalt  }
0x7c: {  	_ =	shalt  }
0x7d: {  	_ =	shalt  }
0x7e: {  	_ =	shalt  }
0x7f: {  	_ =	shalt  }
0x80: {  	_ =	shalt  }
0x81: {  	_ =	shalt  }
0x82: {  	_ =	shalt  }
0x83: {  	_ =	shalt  }
0x84: {  	_ =	shalt  }
0x85: {  	_ =	shalt  }
0x86: {  	_ =	shalt  }
0x87: {  	_ =	shalt  }
.Lfunc_end0:
.L_simem_size_0:
called_computation_lowered:
.L_overlay_start_0:
0x88: {  	s2 =	sld [smem:$0x3FD9]  }
0x89: {  	s3 =	sld [smem:$0x3FFE];
	_ =	sdelay $0x1  }
0x8a: {  	s1 =	srdreg.scid  }
0x8b: {  	s0 =	sand.u32 $0x1, s1  }
0x8c: {  	s17 =	sshll.u32 s0, $0xA;
	s2 =	sadd.s32 s3, s2  }
0x8d: {  	s2 =	sadd.s32 s2, s17  }
0x8e: {  	[smem:$0x3FBE] =	sst s2  }
0x8f: {  	_ = 	snop  }
0x90: {  	s2 =	sld [smem:$0x3FD0];
	(tm) =	ssettm $0x1  }
0x91: {  	s18 =	sld [smem:$0x3FFB];
	_ =	sdelay $0x3  }
0x92: {  	_ =	strace s18  }
0x93: {  	s3 =	sld [smem:$0x3FFC];
	_ =	sdelay $0x3  }
0x94: {  	_ =	strace s3  }
0x95: {  	s3 =	sld [smem:$0x3FFD];
	_ =	sdelay $0x3  }
0x96: {  	_ =	strace s3  }
0x97: {  	_ =	strace $0x8FFFFFFF  }
0x98: {  	s19 =	sld [smem:$0x3FDB];
	_ =	sdelay $0x1  }
0x99: {  	s4 =	simm.s32 $_scs_section_size  }
0x9a: {  	s5 =	simm.s32 $_size__tile_overlayer_lowered;
	s6 =	simm.s32 $_tile_overlayer_lowered  }
0x9b: {  	s22 =	simm.s32 $0x1BFF;
	s21 =	sshll.u32 s6, $0x1;
	s3 =	sadd.s32 s4, s19  }
0x9c: {  	s7 =	simm.s32 $0x0;
	s20 =	sshll.u32 s5, $0x1;
	s5 =	sadd.s32 s21, s3  }
0x9d: {  	[timem:s7], [sflag:s22] =	dma.local [hbm:s5], s20  }
0x9e: {  	_ =	swait.ge [sflag:s22], s20  }
0x9f: {  	s4 =	ssub.s32 $0x0, s20;
	[sflag:s22] =	ssyncset.done $0x0  }
0xa0: {  	[sflag:s22] =	ssyncadd.s32 s4;
	_ =	sdelay $0x1  }
0xa1: {  	s23 =	simm.s32 $0x1B8B  }
0xa2: {  	_ =	swait.ge [sflag:s23], $0x1  }
0xa3: {  	[sflag:s23] =	ssyncset.done $0x0  }
0xa4: {  	s25 =	simm.s32 $0x1B8E;
	s24 =	sld [smem:$0x3FFE];
	[sflag:s23] =	ssyncadd.s32 $0xFFFFFFFF  }
0xa5: {  	s26 =	simm.s32 $execute0_lowered;
	[smem:$0x3FD2] =	sst s25  }
0xa6: {  	s5 =	sshll.u32 s26, $0x1;
	_ =	strace $0x80000046;
	[dreg:$0x1] =	wrdreg $0xFFFFFFFF  }
0xa7: {  	s28 =	simm.s32 $_size_execute0_lowered;
	s3 =	sadd.s32 s3, s5;
	[dreg:$0x0] =	wrdreg $0x0  }
0xa8: {  	s5 =	sshll.u32 s28, $0x1;
	[dreg:$0x2] =	wrdreg s3  }
0xa9: {  	[dreg:$0x3] =	wrdreg s5  }
0xaa: {  	[dreg:$0x4] =	wrdreg $0xC0  }
0xab: {  	_ =	task [dreg:s7], $0x5FFFF  }
0xac: {  	[dreg:$0x1] =	wrdreg $0xFFFFFFFF  }
0xad: {  	[dreg:$0x0] =	wrdreg $0x60  }
0xae: {  	[dreg:$0x2] =	wrdreg s24  }
0xaf: {  	[dreg:$0x3] =	wrdreg s2  }
0xb0: {  	[dreg:$0x4] =	wrdreg $0x9  }
0xb1: {  	_ =	task.clear_ibuf [dreg:s7], $0x5FFFF;
	_ =	strace $0x90000046  }
0xb2: {  	s29 =	simm.s32 $0x9;
	_ =	strace $0x80000048  }
0xb3: {  	_ =	swait.ge [sflag:s29], $0x1  }
0xb4: {  	[sflag:s29] =	ssyncadd.s32 $0xFFFFFFFF  }
0xb5: {  	_ =	strace $0x90000048  }
0xb6: {  	_ =	sfence  }
0xb7: {  	s30 =	sld [smem:$0x0];
	_ =	sdelay $0x2  }
0xb8: {  	s31 =	sshll.u32 s1, $0xD;
	s1 =	sshrl.u32 s1, $0x2  }
0xb9: {  	s3 =	sand.u32 $0x4000, s31;
	s1 =	sadd.s32 s1, s30  }
0xba: {  	s0 =	sor.u32 s3, s0;
	s1 =	sshll.u32 s1, $0x11  }
0xbb: {  	s0 =	sor.u32 s1, s0  }
0xbc: {  	s0 =	sadd.s32 $0x8F2B, s0  }
0xbd: {  	[sflag:s0] =	ssyncadd.remote.s32 $0x1  }
0xbe: {  	_ =	sfence.sel $0xFFFF  }
0xbf: {  	[dreg:$0x0] =	wrdreg $0xFFFFFFFF;
	(pc) =	sbr.abs _section_cstart, $3  }
0xc0: {  	[dreg:$0x1] =	wrdreg $0xFFFFFFFF  }
0xc1: {  	_ =	task.clear_ibuf [dreg:s7], $0x2FFFF;
	_ =	strace $0x9FFFFFFF  }
0xc2: {  	(tm) =	ssettm $0x7FFFFFFF  }
0xc3: {  	_ =	shalt  }
tec
execute0_lowered:
.L_overlay_start_1:
0x0: {  	(tag) =	ssettag $0x1  }
0x1: {  	s0 =	rddreg [dreg:$0x0]  }
0x2: {  	s2 =	rddreg [dreg:$0x1]  }
0x3: {  	s1 =	simm.s32 $0x0;
	s4 =	srdreg.scid;
	s5 =	stileid.u32  }
0x4: {  	s16 =	simm.s32 $0x2;
	s17 =	simm.s32 $0x200;
	s19 =	simm.s32 $0x800  }
0x5: {  	s20 =	simm.s32 $0x1;
	s21 =	simm.s32 $0x1000;
	s22 =	simm.s32 $0x20000  }
0x6: {  	s23 =	simm.s32 $0x10800;
	s24 =	simm.s32 $0x12800;
	s25 =	simm.s32 $0x14800  }
0x7: {  	s26 =	simm.s32 $0x16800;
	s28 =	simm.s32 $0x0;
	[smem:$0x7FF] =	sst s1  }
0x8: {  	s3 =	sadd.s32 $0xF44000, s0;
	s6 =	sand.u32 $0x1, s4;
	s4 =	sadd.s32 $0x112C600, s0  }
0x9: {  	s7 =	sshll.u32 s5, $0xA;
	s5 =	sadd.s32 $0x1314C00, s0;
	s8 =	sshll.u32 s6, $0x9  }
0xa: {  	_ =	strace $0x80000047;
	s31 =	ssub.s32 $0x2, s6;
	s7 =	sor.u32 s8, s7  }
0xb: {  	s6 =	sadd.s32 $0x14FD200, s0;
	s9 =	sshrl.u32 s31, $0x1;
	s10 =	sshrl.u32 s7, $0x3  }
0xc: {  	s15 =	ssub.s32 s31, s9;
	s11 =	sadd.s32 s10, s0;
	s0 =	sadd.s32 s7, s0  }
0xd: {  	s10 =	sadd.s32 s2, s10;
	s15 =	smax.u32 s15, $0x1;
	s7 =	sadd.s32 $0x2400, s11  }
0xe: {  	v0 =	vlaneseq.u32;
	s8 =	sadd.s32 $0x1C00, s11;
	s9 =	sadd.s32 $0x2C00, s11;
	s11 =	sadd.s32 $0x3400, s0  }
0xf: {  	v0 =	vmul.u32 $0x80, v0;
	s12 =	sadd.s32 $0xB400, s0;
	s13 =	sadd.s32 $0x13400, s0;
	s14 =	sadd.s32 $0x1B400, s0  }
.LBB2_1:
0x10: {  	[tilespmem:s1], [sflag:$0x2] =	stream.linear.gather [hbm4b:s7+s1], $0x200, $0x38;
	[tilespmem:$0x18800] =	vst v63  }
0x11: {  	_ =	swait.ge [sflag:s16], $0x200  }
0x12: {  	[sflag:s16] =	ssyncset.done $0x0  }
0x13: {  	[sflag:s16] =	ssyncadd.s32 $0xFFFFFE00  }
0x14: {  	[tilespmem:s17], [sflag:$0x2] =	stream.linear.gather [hbm4b:s8+s1], $0x200, $0x38;
	[tilespmem:$0x18800] =	vst v63  }
0x15: {  	_ =	swait.ge [sflag:s16], $0x200  }
0x16: {  	[sflag:s16] =	ssyncset.done $0x0  }
0x17: {  	s29 =	simm.s32 $0x400;
	[sflag:s16] =	ssyncadd.s32 $0xFFFFFE00  }
0x18: {  	[tilespmem:s29], [sflag:$0x2] =	stream.linear.gather [hbm4b:s9+s1], $0x200, $0x38;
	[tilespmem:$0x18800] =	vst v63  }
0x19: {  	_ =	swait.ge [sflag:s16], $0x200  }
0x1a: {  	[sflag:s16] =	ssyncset.done $0x0  }
0x1b: {  	s0 =	simm.s32 $0x600;
	[sflag:s16] =	ssyncadd.s32 $0xFFFFFE00  }
0x1c: {  	[tilespmem:s0], [sflag:$0x2] =	stream.linear.gather [hbm4b:s10+s1], $0x200, $0x38;
	[tilespmem:$0x18800] =	vst v63  }
0x1d: {  	_ =	swait.ge [sflag:s16], $0x200  }
0x1e: {  	[sflag:s16] =	ssyncset.done $0x0  }
0x1f: {  	[sflag:s16] =	ssyncadd.s32 $0xFFFFFE00  }
0x20: {  	[tilespmem:s19], [sflag:$0x1] =	stream.indirect.gather [hbm4b:s3+s17], $0x80, s1, s17, $0xb8;
	[tilespmem:$0x18800] =	vst v63  }
0x21: {  	_ =	swait.ge [sflag:s20], $0x10000  }
0x22: {  	[sflag:s20] =	ssyncset.done $0x0  }
0x23: {  	[sflag:s20] =	ssyncadd.s32 $0xFFFF0000  }
0x24: {  	v1 =	vld [tilespmem:s29+$0x0];
	_ =	sdelay $0x2  }
0x25: {  	v2 =	vmov s1  }
0x26: {  	v2 =	vshll.u32 v2, $0x7  }
0x27: {  	v2 =	vor.u32 v0, v2;
	v3 =	vand.u32 $0xFFFFFF80, v1  }
0x28: {  	v4 =	vand.u32 $0x7F, v1;
	v3 =	vadd.s32 v2, v3  }
0x29: {  	v3 =	vor.u32 v4, v3;
	_ =	sdelay $0x2  }
0x2a: {  	v31 =	vadd.s32 $0x1, v1  }
0x2b: {  	v5 =	vand.u32 $0xFFFFFF80, v31  }
0x2c: {  	v5 =	vadd.s32 v2, v5;
	v4 =	vand.u32 $0x7F, v31;
	v3 =	vld.idx.msk [tilespmem:v3+s19+$0x0], $0xffff  }
0x2d: {  	v4 =	vor.u32 v4, v5;
	_ =	sdelay $0x1  }
0x2e: {  	s18 =	sand.u32 $0x70, s1;
	s2 =	sand.u32 $0xC00, s1  }
0x2f: {  	s30 =	sor.u32 s18, s2;
	v32 =	vadd.s32 $0x2, v1  }
0x30: {  	v6 =	vand.u32 $0xFFFFFF80, v32;
	[tilespmem:s30+$0x10800] =	vst v3  }
0x31: {  	v5 =	vand.u32 $0x7F, v32;
	v3 =	vadd.s32 v2, v6;
	v4 =	vld.idx.msk [tilespmem:v4+s19+$0x0], $0xffff  }
0x32: {  	v3 =	vor.u32 v5, v3;
	_ =	sdelay $0x2  }
0x33: {  	s0 =	sadd.s32 $0x10800, s30;
	v33 =	vadd.s32 $0x3, v1  }
0x34: {  	v34 =	vand.u32 $0xFFFFFF80, v33;
	[tilespmem:s0+$0x80] =	vst v4  }
0x35: {  	v35 =	vadd.s32 v2, v34;
	v5 =	vand.u32 $0x7F, v33;
	v3 =	vld.idx.msk [tilespmem:v3+s19+$0x0], $0xffff  }
0x36: {  	v4 =	vor.u32 v5, v35;
	_ =	sdelay $0x2  }
0x37: {  	v36 =	vadd.s32 $0x4, v1  }
0x38: {  	v37 =	vand.u32 $0xFFFFFF80, v36;
	[tilespmem:s0+$0x100] =	vst v3  }
0x39: {  	v5 =	vand.u32 $0x7F, v36;
	v3 =	vadd.s32 v2, v37;
	v4 =	vld.idx.msk [tilespmem:v4+s19+$0x0], $0xffff  }
0x3a: {  	v3 =	vor.u32 v5, v3;
	_ =	sdelay $0x2  }
0x3b: {  	v38 =	vadd.s32 $0x5, v1  }
0x3c: {  	v39 =	vand.u32 $0xFFFFFF80, v38;
	[tilespmem:s0+$0x180] =	vst v4  }
0x3d: {  	v40 =	vadd.s32 v2, v39;
	v5 =	vand.u32 $0x7F, v38;
	v3 =	vld.idx.msk [tilespmem:v3+s19+$0x0], $0xffff  }
0x3e: {  	v4 =	vor.u32 v5, v40;
	_ =	sdelay $0x2  }
0x3f: {  	v41 =	vadd.s32 $0x6, v1  }
0x40: {  	v42 =	vand.u32 $0xFFFFFF80, v41;
	[tilespmem:s0+$0x200] =	vst v3  }
0x41: {  	v5 =	vand.u32 $0x7F, v41;
	v3 =	vadd.s32 v2, v42;
	v4 =	vld.idx.msk [tilespmem:v4+s19+$0x0], $0xffff  }
0x42: {  	v3 =	vor.u32 v5, v3;
	_ =	sdelay $0x2  }
0x43: {  	v43 =	vadd.s32 $0x7, v1  }
0x44: {  	v44 =	vand.u32 $0xFFFFFF80, v43;
	[tilespmem:s0+$0x280] =	vst v4  }
0x45: {  	v45 =	vadd.s32 v2, v44;
	v5 =	vand.u32 $0x7F, v43;
	v3 =	vld.idx.msk [tilespmem:v3+s19+$0x0], $0xffff  }
0x46: {  	v4 =	vor.u32 v5, v45;
	_ =	sdelay $0x2  }
0x47: {  	v46 =	vadd.s32 $0x8, v1  }
0x48: {  	v47 =	vand.u32 $0xFFFFFF80, v46;
	[tilespmem:s0+$0x300] =	vst v3  }
0x49: {  	v5 =	vand.u32 $0x7F, v46;
	v3 =	vadd.s32 v2, v47;
	v4 =	vld.idx.msk [tilespmem:v4+s19+$0x0], $0xffff  }
0x4a: {  	v3 =	vor.u32 v5, v3;
	_ =	sdelay $0x1  }
0x4b: {  	s18 =	sor.u32 s1, s1  }
0x4c: {  	v48 =	vadd.s32 $0x9, v1;
	s0 =	sor.u32 $0x380, s18  }
0x4d: {  	v49 =	vand.u32 $0xFFFFFF80, v48;
	[tilespmem:s0+$0x10800] =	vst v4  }
0x4e: {  	v50 =	vadd.s32 v2, v49;
	v5 =	vand.u32 $0x7F, v48;
	v3 =	vld.idx.msk [tilespmem:v3+s19+$0x0], $0xffff  }
0x4f: {  	v4 =	vor.u32 v5, v50;
	_ =	sdelay $0x2  }
0x50: {  	v51 =	vadd.s32 $0xA, v1  }
0x51: {  	v52 =	vand.u32 $0xFFFFFF80, v51;
	[tilespmem:s30+$0x11800] =	vst v3  }
0x52: {  	v5 =	vand.u32 $0x7F, v51;
	v3 =	vadd.s32 v2, v52;
	v4 =	vld.idx.msk [tilespmem:v4+s19+$0x0], $0xffff  }
0x53: {  	v3 =	vor.u32 v5, v3;
	_ =	sdelay $0x2  }
0x54: {  	v53 =	vadd.s32 $0xB, v1  }
0x55: {  	v54 =	vand.u32 $0xFFFFFF80, v53;
	[tilespmem:s30+$0x11880] =	vst v4  }
0x56: {  	v55 =	vadd.s32 v2, v54;
	v5 =	vand.u32 $0x7F, v53;
	v3 =	vld.idx.msk [tilespmem:v3+s19+$0x0], $0xffff  }
0x57: {  	v4 =	vor.u32 v5, v55;
	_ =	sdelay $0x2  }
0x58: {  	v56 =	vadd.s32 $0xC, v1  }
0x59: {  	v57 =	vand.u32 $0xFFFFFF80, v56;
	[tilespmem:s30+$0x11900] =	vst v3  }
0x5a: {  	v5 =	vand.u32 $0x7F, v56;
	v3 =	vadd.s32 v2, v57;
	v4 =	vld.idx.msk [tilespmem:v4+s19+$0x0], $0xffff  }
0x5b: {  	v3 =	vor.u32 v5, v3;
	_ =	sdelay $0x2  }
0x5c: {  	v58 =	vadd.s32 $0xD, v1  }
0x5d: {  	v59 =	vand.u32 $0xFFFFFF80, v58;
	[tilespmem:s30+$0x11980] =	vst v4  }
0x5e: {  	v60 =	vadd.s32 v2, v59;
	v5 =	vand.u32 $0x7F, v58;
	v3 =	vld.idx.msk [tilespmem:v3+s19+$0x0], $0xffff  }
0x5f: {  	v4 =	vor.u32 v5, v60;
	_ =	sdelay $0x2  }
0x60: {  	v61 =	vadd.s32 $0xE, v1  }
0x61: {  	v62 =	vand.u32 $0xFFFFFF80, v61;
	[tilespmem:s30+$0x11A00] =	vst v3  }
0x62: {  	v5 =	vand.u32 $0x7F, v61;
	v3 =	vadd.s32 v2, v62;
	v4 =	vld.idx.msk [tilespmem:v4+s19+$0x0], $0xffff  }
0x63: {  	v3 =	vor.u32 v5, v3;
	_ =	sdelay $0x2  }
0x64: {  	v1 =	vadd.s32 $0xF, v1  }
0x65: {  	v63 =	vand.u32 $0xFFFFFF80, v1;
	[tilespmem:s30+$0x11A80] =	vst v4  }
0x66: {  	v1 =	vand.u32 $0x7F, v1;
	v2 =	vadd.s32 v2, v63;
	v3 =	vld.idx.msk [tilespmem:v3+s19+$0x0], $0xffff  }
0x67: {  	v1 =	vor.u32 v1, v2;
	_ =	sdelay $0x3  }
0x68: {  	[tilespmem:s30+$0x11B00] =	vst v3  }
0x69: {  	s31 =	simm.s32 $0x10;
	s0 =	simm.s32 $0x0;
	v1 =	vld.idx.msk [tilespmem:v1+s19+$0x0], $0xffff  }
.LBB2_2:
0x6a: {  	_ =	sdelay $0x3  }
0x6b: {  	p0 =	sne.s32 s31, $0x1F0;
	s0 =	sadd.s32 $0x80, s0;
	s29 =	sadd.s32 $0x10, s29;
	[tilespmem:s30+$0x11B80] =	vst v1  }
0x6c: {  	s2 =	smov.u32 s31;
	s31 =	sadd.s32 $0x10, s31;
	v1 =	vld [tilespmem:s29+$0x0];
	_ =	sdelay $0x2  }
0x6d: {  	v2 =	vmov s2  }
0x6e: {  	v2 =	vshll.u32 v2, $0x7  }
0x6f: {  	v2 =	vor.u32 v0, v2;
	v3 =	vand.u32 $0xFFFFFF80, v1;
	v4 =	vadd.s32 $0x1, v1  }
0x70: {  	v5 =	vand.u32 $0x7F, v1;
	v3 =	vadd.s32 v2, v3;
	v6 =	vand.u32 $0xFFFFFF80, v4  }
0x71: {  	v7 =	vadd.s32 $0x2, v1;
	v3 =	vor.u32 v5, v3;
	v5 =	vadd.s32 v2, v6  }
0x72: {  	v8 =	vadd.s32 $0x3, v1;
	v9 =	vadd.s32 $0x4, v1;
	v6 =	vand.u32 $0xFFFFFF80, v7  }
0x73: {  	v11 =	vand.u32 $0xFFFFFF80, v9;
	v10 =	vadd.s32 v2, v6;
	v6 =	vand.u32 $0xFFFFFF80, v8  }
0x74: {  	v13 =	vadd.s32 $0x5, v1;
	v11 =	vadd.s32 v2, v11;
	v12 =	vadd.s32 v2, v6  }
0x75: {  	v14 =	vadd.s32 $0x6, v1;
	v15 =	vadd.s32 $0x7, v1;
	v6 =	vand.u32 $0xFFFFFF80, v13  }
0x76: {  	v17 =	vand.u32 $0xFFFFFF80, v15;
	v16 =	vadd.s32 v2, v6;
	v6 =	vand.u32 $0xFFFFFF80, v14;
	v3 =	vld.idx.msk [tilespmem:v3+s19+$0x0], $0xffff  }
0x77: {  	v4 =	vand.u32 $0x7F, v4;
	v17 =	vadd.s32 v2, v17;
	v18 =	vadd.s32 v2, v6  }
0x78: {  	v19 =	vadd.s32 $0x8, v1;
	v20 =	vadd.s32 $0x9, v1;
	v5 =	vor.u32 v4, v5  }
0x79: {  	v21 =	vadd.s32 $0xA, v1;
	v4 =	vand.u32 $0xFFFFFF80, v19;
	v6 =	vand.u32 $0xFFFFFF80, v20  }
0x7a: {  	s18 =	sand.u32 $0xC00, s0;
	s30 =	sand.u32 $0x70, s2;
	v22 =	vadd.s32 v2, v4;
	v4 =	vand.u32 $0xFFFFFF80, v21;
	v23 =	vadd.s32 v2, v6  }
0x7b: {  	s30 =	sor.u32 s30, s18;
	v25 =	vadd.s32 $0xB, v1;
	v24 =	vadd.s32 v2, v4;
	v6 =	vadd.s32 $0xC, v1  }
0x7c: {  	v4 =	vadd.s32 $0xD, v1;
	v26 =	vand.u32 $0xFFFFFF80, v6;
	[tilespmem:s30+$0x10800] =	vst v3;
	v3 =	vand.u32 $0xFFFFFF80, v25  }
0x7d: {  	v26 =	vadd.s32 v2, v26;
	v27 =	vld.idx.msk [tilespmem:v5+s19+$0x0], $0xffff;
	v28 =	vadd.s32 v2, v3;
	v3 =	vand.u32 $0xFFFFFF80, v4  }
0x7e: {  	v5 =	vand.u32 $0x7F, v7;
	v7 =	vadd.s32 v2, v3;
	v3 =	vadd.s32 $0xE, v1  }
0x7f: {  	v10 =	vor.u32 v5, v10;
	v1 =	vadd.s32 $0xF, v1;
	v5 =	vand.u32 $0xFFFFFF80, v3  }
0x80: {  	v29 =	vand.u32 $0xFFFFFF80, v1;
	v5 =	vadd.s32 v2, v5  }
0x81: {  	v2 =	vadd.s32 v2, v29  }
0x82: {  	s18 =	sadd.s32 $0x10800, s30  }
0x83: {  	[tilespmem:s18+$0x80] =	vst v27  }
0x84: {  	v10 =	vld.idx.msk [tilespmem:v10+s19+$0x0], $0xffff  }
0x85: {  	v8 =	vand.u32 $0x7F, v8  }
0x86: {  	v8 =	vor.u32 v8, v12;
	_ =	sdelay $0x3  }
0x87: {  	[tilespmem:s18+$0x100] =	vst v10  }
0x88: {  	v8 =	vld.idx.msk [tilespmem:v8+s19+$0x0], $0xffff  }
0x89: {  	v9 =	vand.u32 $0x7F, v9  }
0x8a: {  	v9 =	vor.u32 v9, v11;
	_ =	sdelay $0x3  }
0x8b: {  	[tilespmem:s18+$0x180] =	vst v8  }
0x8c: {  	v8 =	vld.idx.msk [tilespmem:v9+s19+$0x0], $0xffff  }
0x8d: {  	v9 =	vand.u32 $0x7F, v13  }
0x8e: {  	v9 =	vor.u32 v9, v16;
	_ =	sdelay $0x3  }
0x8f: {  	[tilespmem:s18+$0x200] =	vst v8  }
0x90: {  	v8 =	vld.idx.msk [tilespmem:v9+s19+$0x0], $0xffff  }
0x91: {  	v9 =	vand.u32 $0x7F, v14  }
0x92: {  	v9 =	vor.u32 v9, v18;
	_ =	sdelay $0x3  }
0x93: {  	[tilespmem:s18+$0x280] =	vst v8  }
0x94: {  	v8 =	vld.idx.msk [tilespmem:v9+s19+$0x0], $0xffff  }
0x95: {  	v9 =	vand.u32 $0x7F, v15  }
0x96: {  	v9 =	vor.u32 v9, v17;
	_ =	sdelay $0x3  }
0x97: {  	[tilespmem:s18+$0x300] =	vst v8  }
0x98: {  	v8 =	vld.idx.msk [tilespmem:v9+s19+$0x0], $0xffff  }
0x99: {  	v9 =	vand.u32 $0x7F, v19  }
0x9a: {  	v9 =	vor.u32 v9, v22;
	_ =	sdelay $0x1  }
0x9b: {  	s2 =	sor.u32 s0, s2  }
0x9c: {  	s2 =	sor.u32 $0x380, s2  }
0x9d: {  	[tilespmem:s2+$0x10800] =	vst v8  }
0x9e: {  	v8 =	vld.idx.msk [tilespmem:v9+s19+$0x0], $0xffff  }
0x9f: {  	v9 =	vand.u32 $0x7F, v20  }
0xa0: {  	v9 =	vor.u32 v9, v23;
	_ =	sdelay $0x3  }
0xa1: {  	[tilespmem:s30+$0x11800] =	vst v8  }
0xa2: {  	v8 =	vld.idx.msk [tilespmem:v9+s19+$0x0], $0xffff  }
0xa3: {  	v9 =	vand.u32 $0x7F, v21  }
0xa4: {  	v9 =	vor.u32 v9, v24;
	_ =	sdelay $0x3  }
0xa5: {  	[tilespmem:s30+$0x11880] =	vst v8  }
0xa6: {  	v8 =	vld.idx.msk [tilespmem:v9+s19+$0x0], $0xffff  }
0xa7: {  	v9 =	vand.u32 $0x7F, v25  }
0xa8: {  	v9 =	vor.u32 v9, v28;
	_ =	sdelay $0x3  }
0xa9: {  	[tilespmem:s30+$0x11900] =	vst v8  }
0xaa: {  	v8 =	vld.idx.msk [tilespmem:v9+s19+$0x0], $0xffff  }
0xab: {  	v6 =	vand.u32 $0x7F, v6  }
0xac: {  	v6 =	vor.u32 v6, v26;
	_ =	sdelay $0x3  }
0xad: {  	[tilespmem:s30+$0x11980] =	vst v8  }
0xae: {  	v6 =	vld.idx.msk [tilespmem:v6+s19+$0x0], $0xffff  }
0xaf: {  	v4 =	vand.u32 $0x7F, v4  }
0xb0: {  	v4 =	vor.u32 v4, v7;
	_ =	sdelay $0x3  }
0xb1: {  	[tilespmem:s30+$0x11A00] =	vst v6  }
0xb2: {  	v4 =	vld.idx.msk [tilespmem:v4+s19+$0x0], $0xffff  }
0xb3: {  	v3 =	vand.u32 $0x7F, v3  }
0xb4: {  	v3 =	vor.u32 v3, v5;
	_ =	sdelay $0x3  }
0xb5: {  	[tilespmem:s30+$0x11A80] =	vst v4  }
0xb6: {  	v3 =	vld.idx.msk [tilespmem:v3+s19+$0x0], $0xffff  }
0xb7: {  	v1 =	vand.u32 $0x7F, v1  }
0xb8: {  	v1 =	vor.u32 v1, v2  }
.Ltmp0:
0xb9: {  	(pc) =	sbr.rel @p0 .LBB2_2-.Ltmp0, $3  }
0xba: {  	_ =	sdelay $0x1  }
0xbb: {  	[tilespmem:s30+$0x11B00] =	vst v3  }
0xbc: {  	v1 =	vld.idx.msk [tilespmem:v1+s19+$0x0], $0xffff  }
0xbd: {  	_ =	sdelay $0x3  }
0xbe: {  	[tilespmem:s30+$0x11B80] =	vst v1  }
0xbf: {  	[tilespmem:s19], [sflag:$0x1] =	stream.indirect.gather [hbm4b:s4+s17], $0x80, s17, s17, $0xb8;
	[tilespmem:$0x18800] =	vst v63  }
0xc0: {  	_ =	swait.ge [sflag:s20], $0x10000  }
0xc1: {  	[sflag:s20] =	ssyncset.done $0x0  }
0xc2: {  	s29 =	simm.s32 $0x600;
	[sflag:s20] =	ssyncadd.s32 $0xFFFF0000  }
0xc3: {  	v1 =	vld [tilespmem:s29+$0x0];
	_ =	sdelay $0x1  }
0xc4: {  	s30 =	simm.s32 $0x0  }
0xc5: {  	v2 =	vmov s30  }
0xc6: {  	v2 =	vshll.u32 v2, $0x7  }
0xc7: {  	v2 =	vor.u32 v0, v2;
	v3 =	vand.u32 $0xFFFFFF80, v1  }
0xc8: {  	v4 =	vand.u32 $0x7F, v1;
	v3 =	vadd.s32 v2, v3  }
0xc9: {  	v3 =	vor.u32 v4, v3;
	_ =	sdelay $0x2  }
0xca: {  	v31 =	vadd.s32 $0x1, v1  }
0xcb: {  	v5 =	vand.u32 $0xFFFFFF80, v31  }
0xcc: {  	v5 =	vadd.s32 v2, v5;
	v4 =	vand.u32 $0x7F, v31;
	v3 =	vld.idx.msk [tilespmem:v3+s19+$0x0], $0xffff  }
0xcd: {  	v4 =	vor.u32 v4, v5;
	_ =	sdelay $0x1  }
0xce: {  	s0 =	sand.u32 $0x70, s30;
	s2 =	sand.u32 $0xC00, s30  }
0xcf: {  	s31 =	sor.u32 s0, s2;
	v32 =	vadd.s32 $0x2, v1  }
0xd0: {  	v6 =	vand.u32 $0xFFFFFF80, v32;
	[tilespmem:s31+$0x12800] =	vst v3  }
0xd1: {  	v5 =	vand.u32 $0x7F, v32;
	v3 =	vadd.s32 v2, v6;
	v4 =	vld.idx.msk [tilespmem:v4+s19+$0x0], $0xffff  }
0xd2: {  	v3 =	vor.u32 v5, v3;
	_ =	sdelay $0x2  }
0xd3: {  	v33 =	vadd.s32 $0x3, v1  }
0xd4: {  	v34 =	vand.u32 $0xFFFFFF80, v33;
	[tilespmem:s31+$0x12880] =	vst v4  }
0xd5: {  	v35 =	vadd.s32 v2, v34;
	v5 =	vand.u32 $0x7F, v33;
	v3 =	vld.idx.msk [tilespmem:v3+s19+$0x0], $0xffff  }
0xd6: {  	v4 =	vor.u32 v5, v35;
	_ =	sdelay $0x2  }
0xd7: {  	v36 =	vadd.s32 $0x4, v1  }
0xd8: {  	v37 =	vand.u32 $0xFFFFFF80, v36;
	[tilespmem:s31+$0x12900] =	vst v3  }
0xd9: {  	v5 =	vand.u32 $0x7F, v36;
	v3 =	vadd.s32 v2, v37;
	v4 =	vld.idx.msk [tilespmem:v4+s19+$0x0], $0xffff  }
0xda: {  	v3 =	vor.u32 v5, v3;
	_ =	sdelay $0x2  }
0xdb: {  	v38 =	vadd.s32 $0x5, v1  }
0xdc: {  	v39 =	vand.u32 $0xFFFFFF80, v38;
	[tilespmem:s31+$0x12980] =	vst v4  }
0xdd: {  	v40 =	vadd.s32 v2, v39;
	v5 =	vand.u32 $0x7F, v38;
	v3 =	vld.idx.msk [tilespmem:v3+s19+$0x0], $0xffff  }
0xde: {  	v4 =	vor.u32 v5, v40;
	_ =	sdelay $0x2  }
0xdf: {  	v41 =	vadd.s32 $0x6, v1  }
0xe0: {  	v42 =	vand.u32 $0xFFFFFF80, v41;
	[tilespmem:s31+$0x12A00] =	vst v3  }
0xe1: {  	v5 =	vand.u32 $0x7F, v41;
	v3 =	vadd.s32 v2, v42;
	v4 =	vld.idx.msk [tilespmem:v4+s19+$0x0], $0xffff  }
0xe2: {  	v3 =	vor.u32 v5, v3;
	_ =	sdelay $0x2  }
0xe3: {  	v43 =	vadd.s32 $0x7, v1  }
0xe4: {  	v44 =	vand.u32 $0xFFFFFF80, v43;
	[tilespmem:s31+$0x12A80] =	vst v4  }
0xe5: {  	v45 =	vadd.s32 v2, v44;
	v5 =	vand.u32 $0x7F, v43;
	v3 =	vld.idx.msk [tilespmem:v3+s19+$0x0], $0xffff  }
0xe6: {  	v4 =	vor.u32 v5, v45;
	_ =	sdelay $0x2  }
0xe7: {  	v46 =	vadd.s32 $0x8, v1  }
0xe8: {  	v47 =	vand.u32 $0xFFFFFF80, v46;
	[tilespmem:s31+$0x12B00] =	vst v3  }
0xe9: {  	v5 =	vand.u32 $0x7F, v46;
	v3 =	vadd.s32 v2, v47;
	v4 =	vld.idx.msk [tilespmem:v4+s19+$0x0], $0xffff  }
0xea: {  	v3 =	vor.u32 v5, v3;
	_ =	sdelay $0x2  }
0xeb: {  	v48 =	vadd.s32 $0x9, v1  }
0xec: {  	v49 =	vand.u32 $0xFFFFFF80, v48;
	[tilespmem:s31+$0x12B80] =	vst v4  }
0xed: {  	v50 =	vadd.s32 v2, v49;
	v5 =	vand.u32 $0x7F, v48;
	v3 =	vld.idx.msk [tilespmem:v3+s19+$0x0], $0xffff  }
0xee: {  	v4 =	vor.u32 v5, v50;
	_ =	sdelay $0x2  }
0xef: {  	v51 =	vadd.s32 $0xA, v1  }
0xf0: {  	v52 =	vand.u32 $0xFFFFFF80, v51;
	[tilespmem:s31+$0x13800] =	vst v3  }
0xf1: {  	v5 =	vand.u32 $0x7F, v51;
	v3 =	vadd.s32 v2, v52;
	v4 =	vld.idx.msk [tilespmem:v4+s19+$0x0], $0xffff  }
0xf2: {  	v3 =	vor.u32 v5, v3;
	_ =	sdelay $0x2  }
0xf3: {  	v53 =	vadd.s32 $0xB, v1  }
0xf4: {  	v54 =	vand.u32 $0xFFFFFF80, v53;
	[tilespmem:s31+$0x13880] =	vst v4  }
0xf5: {  	v55 =	vadd.s32 v2, v54;
	v5 =	vand.u32 $0x7F, v53;
	v3 =	vld.idx.msk [tilespmem:v3+s19+$0x0], $0xffff  }
0xf6: {  	v4 =	vor.u32 v5, v55;
	_ =	sdelay $0x2  }
0xf7: {  	v56 =	vadd.s32 $0xC, v1  }
0xf8: {  	v57 =	vand.u32 $0xFFFFFF80, v56;
	[tilespmem:s31+$0x13900] =	vst v3  }
0xf9: {  	v5 =	vand.u32 $0x7F, v56;
	v3 =	vadd.s32 v2, v57;
	v4 =	vld.idx.msk [tilespmem:v4+s19+$0x0], $0xffff  }
0xfa: {  	v3 =	vor.u32 v5, v3;
	_ =	sdelay $0x2  }
0xfb: {  	v58 =	vadd.s32 $0xD, v1  }
0xfc: {  	v59 =	vand.u32 $0xFFFFFF80, v58;
	[tilespmem:s31+$0x13980] =	vst v4  }
0xfd: {  	v60 =	vadd.s32 v2, v59;
	v5 =	vand.u32 $0x7F, v58;
	v3 =	vld.idx.msk [tilespmem:v3+s19+$0x0], $0xffff  }
0xfe: {  	v4 =	vor.u32 v5, v60;
	_ =	sdelay $0x2  }
0xff: {  	v61 =	vadd.s32 $0xE, v1  }
0x100: {  	v62 =	vand.u32 $0xFFFFFF80, v61;
	[tilespmem:s31+$0x13A00] =	vst v3  }
0x101: {  	v5 =	vand.u32 $0x7F, v61;
	v3 =	vadd.s32 v2, v62;
	v4 =	vld.idx.msk [tilespmem:v4+s19+$0x0], $0xffff  }
0x102: {  	v3 =	vor.u32 v5, v3;
	_ =	sdelay $0x2  }
0x103: {  	v1 =	vadd.s32 $0xF, v1  }
0x104: {  	v63 =	vand.u32 $0xFFFFFF80, v1;
	[tilespmem:s31+$0x13A80] =	vst v4  }
0x105: {  	v1 =	vand.u32 $0x7F, v1;
	v2 =	vadd.s32 v2, v63;
	v3 =	vld.idx.msk [tilespmem:v3+s19+$0x0], $0xffff  }
0x106: {  	v1 =	vor.u32 v1, v2;
	_ =	sdelay $0x3  }
0x107: {  	[tilespmem:s31+$0x13B00] =	vst v3  }
0x108: {  	s0 =	simm.s32 $0x10;
	v1 =	vld.idx.msk [tilespmem:v1+s19+$0x0], $0xffff  }
.LBB2_4:
0x109: {  	_ =	sdelay $0x3  }
0x10a: {  	p0 =	sne.s32 s0, $0x1F0;
	s30 =	sadd.s32 $0x80, s30;
	s29 =	sadd.s32 $0x10, s29;
	[tilespmem:s31+$0x13B80] =	vst v1  }
0x10b: {  	s2 =	smov.u32 s0;
	s0 =	sadd.s32 $0x10, s0;
	v1 =	vld [tilespmem:s29+$0x0];
	_ =	sdelay $0x2  }
0x10c: {  	v2 =	vmov s2  }
0x10d: {  	v2 =	vshll.u32 v2, $0x7  }
0x10e: {  	v2 =	vor.u32 v0, v2;
	v3 =	vand.u32 $0xFFFFFF80, v1;
	v4 =	vadd.s32 $0x1, v1  }
0x10f: {  	v5 =	vand.u32 $0x7F, v1;
	v3 =	vadd.s32 v2, v3;
	v6 =	vand.u32 $0xFFFFFF80, v4  }
0x110: {  	v7 =	vadd.s32 $0x2, v1;
	v3 =	vor.u32 v5, v3;
	v5 =	vadd.s32 v2, v6  }
0x111: {  	v8 =	vadd.s32 $0x3, v1;
	v9 =	vadd.s32 $0x4, v1;
	v6 =	vand.u32 $0xFFFFFF80, v7  }
0x112: {  	v11 =	vand.u32 $0xFFFFFF80, v9;
	v10 =	vadd.s32 v2, v6;
	v6 =	vand.u32 $0xFFFFFF80, v8  }
0x113: {  	v13 =	vadd.s32 $0x5, v1;
	v11 =	vadd.s32 v2, v11;
	v12 =	vadd.s32 v2, v6  }
0x114: {  	v14 =	vadd.s32 $0x6, v1;
	v15 =	vadd.s32 $0x7, v1;
	v6 =	vand.u32 $0xFFFFFF80, v13  }
0x115: {  	v17 =	vand.u32 $0xFFFFFF80, v15;
	v16 =	vadd.s32 v2, v6;
	v6 =	vand.u32 $0xFFFFFF80, v14;
	v3 =	vld.idx.msk [tilespmem:v3+s19+$0x0], $0xffff  }
0x116: {  	v4 =	vand.u32 $0x7F, v4;
	v17 =	vadd.s32 v2, v17;
	v18 =	vadd.s32 v2, v6  }
0x117: {  	v19 =	vadd.s32 $0x8, v1;
	v20 =	vadd.s32 $0x9, v1;
	v5 =	vor.u32 v4, v5  }
0x118: {  	v21 =	vadd.s32 $0xA, v1;
	v4 =	vand.u32 $0xFFFFFF80, v19;
	v6 =	vand.u32 $0xFFFFFF80, v20  }
0x119: {  	s2 =	sand.u32 $0x70, s2;
	s18 =	sand.u32 $0xC00, s30;
	v22 =	vadd.s32 v2, v4;
	v4 =	vand.u32 $0xFFFFFF80, v21;
	v23 =	vadd.s32 v2, v6  }
0x11a: {  	s31 =	sor.u32 s2, s18;
	v25 =	vadd.s32 $0xB, v1;
	v24 =	vadd.s32 v2, v4;
	v6 =	vadd.s32 $0xC, v1  }
0x11b: {  	v4 =	vadd.s32 $0xD, v1;
	v26 =	vand.u32 $0xFFFFFF80, v6;
	[tilespmem:s31+$0x12800] =	vst v3;
	v3 =	vand.u32 $0xFFFFFF80, v25  }
0x11c: {  	v26 =	vadd.s32 v2, v26;
	v27 =	vld.idx.msk [tilespmem:v5+s19+$0x0], $0xffff;
	v28 =	vadd.s32 v2, v3;
	v3 =	vand.u32 $0xFFFFFF80, v4  }
0x11d: {  	v5 =	vand.u32 $0x7F, v7;
	v7 =	vadd.s32 v2, v3;
	v3 =	vadd.s32 $0xE, v1  }
0x11e: {  	v10 =	vor.u32 v5, v10;
	v1 =	vadd.s32 $0xF, v1;
	v5 =	vand.u32 $0xFFFFFF80, v3  }
0x11f: {  	v29 =	vand.u32 $0xFFFFFF80, v1;
	v5 =	vadd.s32 v2, v5  }
0x120: {  	v2 =	vadd.s32 v2, v29;
	_ =	sdelay $0x1  }
0x121: {  	[tilespmem:s31+$0x12880] =	vst v27  }
0x122: {  	v10 =	vld.idx.msk [tilespmem:v10+s19+$0x0], $0xffff  }
0x123: {  	v8 =	vand.u32 $0x7F, v8  }
0x124: {  	v8 =	vor.u32 v8, v12;
	_ =	sdelay $0x3  }
0x125: {  	[tilespmem:s31+$0x12900] =	vst v10  }
0x126: {  	v8 =	vld.idx.msk [tilespmem:v8+s19+$0x0], $0xffff  }
0x127: {  	v9 =	vand.u32 $0x7F, v9  }
0x128: {  	v9 =	vor.u32 v9, v11;
	_ =	sdelay $0x3  }
0x129: {  	[tilespmem:s31+$0x12980] =	vst v8  }
0x12a: {  	v8 =	vld.idx.msk [tilespmem:v9+s19+$0x0], $0xffff  }
0x12b: {  	v9 =	vand.u32 $0x7F, v13  }
0x12c: {  	v9 =	vor.u32 v9, v16;
	_ =	sdelay $0x3  }
0x12d: {  	[tilespmem:s31+$0x12A00] =	vst v8  }
0x12e: {  	v8 =	vld.idx.msk [tilespmem:v9+s19+$0x0], $0xffff  }
0x12f: {  	v9 =	vand.u32 $0x7F, v14  }
0x130: {  	v9 =	vor.u32 v9, v18;
	_ =	sdelay $0x3  }
0x131: {  	[tilespmem:s31+$0x12A80] =	vst v8  }
0x132: {  	v8 =	vld.idx.msk [tilespmem:v9+s19+$0x0], $0xffff  }
0x133: {  	v9 =	vand.u32 $0x7F, v15  }
0x134: {  	v9 =	vor.u32 v9, v17;
	_ =	sdelay $0x3  }
0x135: {  	[tilespmem:s31+$0x12B00] =	vst v8  }
0x136: {  	v8 =	vld.idx.msk [tilespmem:v9+s19+$0x0], $0xffff  }
0x137: {  	v9 =	vand.u32 $0x7F, v19  }
0x138: {  	v9 =	vor.u32 v9, v22;
	_ =	sdelay $0x3  }
0x139: {  	[tilespmem:s31+$0x12B80] =	vst v8  }
0x13a: {  	v8 =	vld.idx.msk [tilespmem:v9+s19+$0x0], $0xffff  }
0x13b: {  	v9 =	vand.u32 $0x7F, v20  }
0x13c: {  	v9 =	vor.u32 v9, v23;
	_ =	sdelay $0x3  }
0x13d: {  	[tilespmem:s31+$0x13800] =	vst v8  }
0x13e: {  	v8 =	vld.idx.msk [tilespmem:v9+s19+$0x0], $0xffff  }
0x13f: {  	v9 =	vand.u32 $0x7F, v21  }
0x140: {  	v9 =	vor.u32 v9, v24;
	_ =	sdelay $0x3  }
0x141: {  	[tilespmem:s31+$0x13880] =	vst v8  }
0x142: {  	v8 =	vld.idx.msk [tilespmem:v9+s19+$0x0], $0xffff  }
0x143: {  	v9 =	vand.u32 $0x7F, v25  }
0x144: {  	v9 =	vor.u32 v9, v28;
	_ =	sdelay $0x3  }
0x145: {  	[tilespmem:s31+$0x13900] =	vst v8  }
0x146: {  	v8 =	vld.idx.msk [tilespmem:v9+s19+$0x0], $0xffff  }
0x147: {  	v6 =	vand.u32 $0x7F, v6  }
0x148: {  	v6 =	vor.u32 v6, v26;
	_ =	sdelay $0x3  }
0x149: {  	[tilespmem:s31+$0x13980] =	vst v8  }
0x14a: {  	v6 =	vld.idx.msk [tilespmem:v6+s19+$0x0], $0xffff  }
0x14b: {  	v4 =	vand.u32 $0x7F, v4  }
0x14c: {  	v4 =	vor.u32 v4, v7;
	_ =	sdelay $0x3  }
0x14d: {  	[tilespmem:s31+$0x13A00] =	vst v6  }
0x14e: {  	v4 =	vld.idx.msk [tilespmem:v4+s19+$0x0], $0xffff  }
0x14f: {  	v3 =	vand.u32 $0x7F, v3  }
0x150: {  	v3 =	vor.u32 v3, v5;
	_ =	sdelay $0x3  }
0x151: {  	[tilespmem:s31+$0x13A80] =	vst v4  }
0x152: {  	v3 =	vld.idx.msk [tilespmem:v3+s19+$0x0], $0xffff  }
0x153: {  	v1 =	vand.u32 $0x7F, v1  }
0x154: {  	v1 =	vor.u32 v1, v2  }
.Ltmp1:
0x155: {  	(pc) =	sbr.rel @p0 .LBB2_4-.Ltmp1, $3  }
0x156: {  	_ =	sdelay $0x1  }
0x157: {  	[tilespmem:s31+$0x13B00] =	vst v3  }
0x158: {  	v1 =	vld.idx.msk [tilespmem:v1+s19+$0x0], $0xffff  }
0x159: {  	_ =	sdelay $0x3  }
0x15a: {  	s29 =	simm.s32 $0x0;
	[tilespmem:s31+$0x13B80] =	vst v1  }
0x15b: {  	[tilespmem:s19], [sflag:$0x1] =	stream.indirect.gather [hbm4b:s5+s17], $0x80, s29, s17, $0xb8;
	[tilespmem:$0x18800] =	vst v63  }
0x15c: {  	_ =	swait.ge [sflag:s20], $0x10000  }
0x15d: {  	[sflag:s20] =	ssyncset.done $0x0  }
0x15e: {  	s30 =	simm.s32 $0x400;
	[sflag:s20] =	ssyncadd.s32 $0xFFFF0000  }
0x15f: {  	v1 =	vld [tilespmem:s30+$0x0];
	_ =	sdelay $0x2  }
0x160: {  	v2 =	vmov s29  }
0x161: {  	v2 =	vshll.u32 v2, $0x7  }
0x162: {  	v2 =	vor.u32 v0, v2;
	v3 =	vand.u32 $0xFFFFFF80, v1  }
0x163: {  	v4 =	vand.u32 $0x7F, v1;
	v3 =	vadd.s32 v2, v3  }
0x164: {  	v3 =	vor.u32 v4, v3;
	_ =	sdelay $0x2  }
0x165: {  	v31 =	vadd.s32 $0x1, v1  }
0x166: {  	v5 =	vand.u32 $0xFFFFFF80, v31  }
0x167: {  	v5 =	vadd.s32 v2, v5;
	v4 =	vand.u32 $0x7F, v31;
	v3 =	vld.idx.msk [tilespmem:v3+s19+$0x0], $0xffff  }
0x168: {  	v4 =	vor.u32 v4, v5;
	_ =	sdelay $0x1  }
0x169: {  	s0 =	sand.u32 $0x70, s29;
	s2 =	sand.u32 $0xC00, s29  }
0x16a: {  	s31 =	sor.u32 s0, s2;
	v32 =	vadd.s32 $0x2, v1  }
0x16b: {  	v6 =	vand.u32 $0xFFFFFF80, v32;
	[tilespmem:s31+$0x14800] =	vst v3  }
0x16c: {  	v5 =	vand.u32 $0x7F, v32;
	v3 =	vadd.s32 v2, v6;
	v4 =	vld.idx.msk [tilespmem:v4+s19+$0x0], $0xffff  }
0x16d: {  	v3 =	vor.u32 v5, v3;
	_ =	sdelay $0x2  }
0x16e: {  	v33 =	vadd.s32 $0x3, v1  }
0x16f: {  	v34 =	vand.u32 $0xFFFFFF80, v33;
	[tilespmem:s31+$0x14880] =	vst v4  }
0x170: {  	v35 =	vadd.s32 v2, v34;
	v5 =	vand.u32 $0x7F, v33;
	v3 =	vld.idx.msk [tilespmem:v3+s19+$0x0], $0xffff  }
0x171: {  	v4 =	vor.u32 v5, v35;
	_ =	sdelay $0x2  }
0x172: {  	v36 =	vadd.s32 $0x4, v1  }
0x173: {  	v37 =	vand.u32 $0xFFFFFF80, v36;
	[tilespmem:s31+$0x14900] =	vst v3  }
0x174: {  	v5 =	vand.u32 $0x7F, v36;
	v3 =	vadd.s32 v2, v37;
	v4 =	vld.idx.msk [tilespmem:v4+s19+$0x0], $0xffff  }
0x175: {  	v3 =	vor.u32 v5, v3;
	_ =	sdelay $0x2  }
0x176: {  	v38 =	vadd.s32 $0x5, v1  }
0x177: {  	v39 =	vand.u32 $0xFFFFFF80, v38;
	[tilespmem:s31+$0x14980] =	vst v4  }
0x178: {  	v40 =	vadd.s32 v2, v39;
	v5 =	vand.u32 $0x7F, v38;
	v3 =	vld.idx.msk [tilespmem:v3+s19+$0x0], $0xffff  }
0x179: {  	v4 =	vor.u32 v5, v40;
	_ =	sdelay $0x2  }
0x17a: {  	v41 =	vadd.s32 $0x6, v1  }
0x17b: {  	v42 =	vand.u32 $0xFFFFFF80, v41;
	[tilespmem:s31+$0x14A00] =	vst v3  }
0x17c: {  	v5 =	vand.u32 $0x7F, v41;
	v3 =	vadd.s32 v2, v42;
	v4 =	vld.idx.msk [tilespmem:v4+s19+$0x0], $0xffff  }
0x17d: {  	v3 =	vor.u32 v5, v3;
	_ =	sdelay $0x2  }
0x17e: {  	v43 =	vadd.s32 $0x7, v1  }
0x17f: {  	v44 =	vand.u32 $0xFFFFFF80, v43;
	[tilespmem:s31+$0x14A80] =	vst v4  }
0x180: {  	v45 =	vadd.s32 v2, v44;
	v5 =	vand.u32 $0x7F, v43;
	v3 =	vld.idx.msk [tilespmem:v3+s19+$0x0], $0xffff  }
0x181: {  	v4 =	vor.u32 v5, v45;
	_ =	sdelay $0x2  }
0x182: {  	v46 =	vadd.s32 $0x8, v1  }
0x183: {  	v47 =	vand.u32 $0xFFFFFF80, v46;
	[tilespmem:s31+$0x14B00] =	vst v3  }
0x184: {  	v5 =	vand.u32 $0x7F, v46;
	v3 =	vadd.s32 v2, v47;
	v4 =	vld.idx.msk [tilespmem:v4+s19+$0x0], $0xffff  }
0x185: {  	v3 =	vor.u32 v5, v3;
	_ =	sdelay $0x2  }
0x186: {  	v48 =	vadd.s32 $0x9, v1  }
0x187: {  	v49 =	vand.u32 $0xFFFFFF80, v48;
	[tilespmem:s31+$0x14B80] =	vst v4  }
0x188: {  	v50 =	vadd.s32 v2, v49;
	v5 =	vand.u32 $0x7F, v48;
	v3 =	vld.idx.msk [tilespmem:v3+s19+$0x0], $0xffff  }
0x189: {  	v4 =	vor.u32 v5, v50;
	_ =	sdelay $0x2  }
0x18a: {  	v51 =	vadd.s32 $0xA, v1  }
0x18b: {  	v52 =	vand.u32 $0xFFFFFF80, v51;
	[tilespmem:s31+$0x15800] =	vst v3  }
0x18c: {  	v5 =	vand.u32 $0x7F, v51;
	v3 =	vadd.s32 v2, v52;
	v4 =	vld.idx.msk [tilespmem:v4+s19+$0x0], $0xffff  }
0x18d: {  	v3 =	vor.u32 v5, v3;
	_ =	sdelay $0x2  }
0x18e: {  	v53 =	vadd.s32 $0xB, v1  }
0x18f: {  	v54 =	vand.u32 $0xFFFFFF80, v53;
	[tilespmem:s31+$0x15880] =	vst v4  }
0x190: {  	v55 =	vadd.s32 v2, v54;
	v5 =	vand.u32 $0x7F, v53;
	v3 =	vld.idx.msk [tilespmem:v3+s19+$0x0], $0xffff  }
0x191: {  	v4 =	vor.u32 v5, v55;
	_ =	sdelay $0x2  }
0x192: {  	v56 =	vadd.s32 $0xC, v1  }
0x193: {  	v57 =	vand.u32 $0xFFFFFF80, v56;
	[tilespmem:s31+$0x15900] =	vst v3  }
0x194: {  	v5 =	vand.u32 $0x7F, v56;
	v3 =	vadd.s32 v2, v57;
	v4 =	vld.idx.msk [tilespmem:v4+s19+$0x0], $0xffff  }
0x195: {  	v3 =	vor.u32 v5, v3;
	_ =	sdelay $0x2  }
0x196: {  	v58 =	vadd.s32 $0xD, v1  }
0x197: {  	v59 =	vand.u32 $0xFFFFFF80, v58;
	[tilespmem:s31+$0x15980] =	vst v4  }
0x198: {  	v60 =	vadd.s32 v2, v59;
	v5 =	vand.u32 $0x7F, v58;
	v3 =	vld.idx.msk [tilespmem:v3+s19+$0x0], $0xffff  }
0x199: {  	v4 =	vor.u32 v5, v60;
	_ =	sdelay $0x2  }
0x19a: {  	v61 =	vadd.s32 $0xE, v1  }
0x19b: {  	v62 =	vand.u32 $0xFFFFFF80, v61;
	[tilespmem:s31+$0x15A00] =	vst v3  }
0x19c: {  	v5 =	vand.u32 $0x7F, v61;
	v3 =	vadd.s32 v2, v62;
	v4 =	vld.idx.msk [tilespmem:v4+s19+$0x0], $0xffff  }
0x19d: {  	v3 =	vor.u32 v5, v3;
	_ =	sdelay $0x2  }
0x19e: {  	v1 =	vadd.s32 $0xF, v1  }
0x19f: {  	v63 =	vand.u32 $0xFFFFFF80, v1;
	[tilespmem:s31+$0x15A80] =	vst v4  }
0x1a0: {  	v1 =	vand.u32 $0x7F, v1;
	v2 =	vadd.s32 v2, v63;
	v3 =	vld.idx.msk [tilespmem:v3+s19+$0x0], $0xffff  }
0x1a1: {  	v1 =	vor.u32 v1, v2;
	_ =	sdelay $0x3  }
0x1a2: {  	[tilespmem:s31+$0x15B00] =	vst v3  }
0x1a3: {  	s0 =	simm.s32 $0x10;
	v1 =	vld.idx.msk [tilespmem:v1+s19+$0x0], $0xffff  }
.LBB2_6:
0x1a4: {  	_ =	sdelay $0x3  }
0x1a5: {  	p0 =	sne.s32 s0, $0x1F0;
	s29 =	sadd.s32 $0x80, s29;
	s30 =	sadd.s32 $0x10, s30;
	[tilespmem:s31+$0x15B80] =	vst v1  }
0x1a6: {  	s2 =	smov.u32 s0;
	s0 =	sadd.s32 $0x10, s0;
	v1 =	vld [tilespmem:s30+$0x0];
	_ =	sdelay $0x2  }
0x1a7: {  	v2 =	vmov s2  }
0x1a8: {  	v2 =	vshll.u32 v2, $0x7  }
0x1a9: {  	v2 =	vor.u32 v0, v2;
	v3 =	vand.u32 $0xFFFFFF80, v1;
	v4 =	vadd.s32 $0x1, v1  }
0x1aa: {  	v5 =	vand.u32 $0x7F, v1;
	v3 =	vadd.s32 v2, v3;
	v6 =	vand.u32 $0xFFFFFF80, v4  }
0x1ab: {  	v7 =	vadd.s32 $0x2, v1;
	v3 =	vor.u32 v5, v3;
	v5 =	vadd.s32 v2, v6  }
0x1ac: {  	v8 =	vadd.s32 $0x3, v1;
	v9 =	vadd.s32 $0x4, v1;
	v6 =	vand.u32 $0xFFFFFF80, v7  }
0x1ad: {  	v11 =	vand.u32 $0xFFFFFF80, v9;
	v10 =	vadd.s32 v2, v6;
	v6 =	vand.u32 $0xFFFFFF80, v8  }
0x1ae: {  	v13 =	vadd.s32 $0x5, v1;
	v11 =	vadd.s32 v2, v11;
	v12 =	vadd.s32 v2, v6  }
0x1af: {  	v14 =	vadd.s32 $0x6, v1;
	v15 =	vadd.s32 $0x7, v1;
	v6 =	vand.u32 $0xFFFFFF80, v13  }
0x1b0: {  	v17 =	vand.u32 $0xFFFFFF80, v15;
	v16 =	vadd.s32 v2, v6;
	v6 =	vand.u32 $0xFFFFFF80, v14;
	v3 =	vld.idx.msk [tilespmem:v3+s19+$0x0], $0xffff  }
0x1b1: {  	v4 =	vand.u32 $0x7F, v4;
	v17 =	vadd.s32 v2, v17;
	v18 =	vadd.s32 v2, v6  }
0x1b2: {  	v19 =	vadd.s32 $0x8, v1;
	v20 =	vadd.s32 $0x9, v1;
	v5 =	vor.u32 v4, v5  }
0x1b3: {  	v21 =	vadd.s32 $0xA, v1;
	v4 =	vand.u32 $0xFFFFFF80, v19;
	v6 =	vand.u32 $0xFFFFFF80, v20  }
0x1b4: {  	s2 =	sand.u32 $0x70, s2;
	s18 =	sand.u32 $0xC00, s29;
	v22 =	vadd.s32 v2, v4;
	v4 =	vand.u32 $0xFFFFFF80, v21;
	v23 =	vadd.s32 v2, v6  }
0x1b5: {  	s31 =	sor.u32 s2, s18;
	v25 =	vadd.s32 $0xB, v1;
	v24 =	vadd.s32 v2, v4;
	v6 =	vadd.s32 $0xC, v1  }
0x1b6: {  	v4 =	vadd.s32 $0xD, v1;
	v26 =	vand.u32 $0xFFFFFF80, v6;
	[tilespmem:s31+$0x14800] =	vst v3;
	v3 =	vand.u32 $0xFFFFFF80, v25  }
0x1b7: {  	v26 =	vadd.s32 v2, v26;
	v27 =	vld.idx.msk [tilespmem:v5+s19+$0x0], $0xffff;
	v28 =	vadd.s32 v2, v3;
	v3 =	vand.u32 $0xFFFFFF80, v4  }
0x1b8: {  	v5 =	vand.u32 $0x7F, v7;
	v7 =	vadd.s32 v2, v3;
	v3 =	vadd.s32 $0xE, v1  }
0x1b9: {  	v10 =	vor.u32 v5, v10;
	v1 =	vadd.s32 $0xF, v1;
	v5 =	vand.u32 $0xFFFFFF80, v3  }
0x1ba: {  	v29 =	vand.u32 $0xFFFFFF80, v1;
	v5 =	vadd.s32 v2, v5  }
0x1bb: {  	v2 =	vadd.s32 v2, v29;
	_ =	sdelay $0x1  }
0x1bc: {  	[tilespmem:s31+$0x14880] =	vst v27  }
0x1bd: {  	v10 =	vld.idx.msk [tilespmem:v10+s19+$0x0], $0xffff  }
0x1be: {  	v8 =	vand.u32 $0x7F, v8  }
0x1bf: {  	v8 =	vor.u32 v8, v12;
	_ =	sdelay $0x3  }
0x1c0: {  	[tilespmem:s31+$0x14900] =	vst v10  }
0x1c1: {  	v8 =	vld.idx.msk [tilespmem:v8+s19+$0x0], $0xffff  }
0x1c2: {  	v9 =	vand.u32 $0x7F, v9  }
0x1c3: {  	v9 =	vor.u32 v9, v11;
	_ =	sdelay $0x3  }
0x1c4: {  	[tilespmem:s31+$0x14980] =	vst v8  }
0x1c5: {  	v8 =	vld.idx.msk [tilespmem:v9+s19+$0x0], $0xffff  }
0x1c6: {  	v9 =	vand.u32 $0x7F, v13  }
0x1c7: {  	v9 =	vor.u32 v9, v16;
	_ =	sdelay $0x3  }
0x1c8: {  	[tilespmem:s31+$0x14A00] =	vst v8  }
0x1c9: {  	v8 =	vld.idx.msk [tilespmem:v9+s19+$0x0], $0xffff  }
0x1ca: {  	v9 =	vand.u32 $0x7F, v14  }
0x1cb: {  	v9 =	vor.u32 v9, v18;
	_ =	sdelay $0x3  }
0x1cc: {  	[tilespmem:s31+$0x14A80] =	vst v8  }
0x1cd: {  	v8 =	vld.idx.msk [tilespmem:v9+s19+$0x0], $0xffff  }
0x1ce: {  	v9 =	vand.u32 $0x7F, v15  }
0x1cf: {  	v9 =	vor.u32 v9, v17;
	_ =	sdelay $0x3  }
0x1d0: {  	[tilespmem:s31+$0x14B00] =	vst v8  }
0x1d1: {  	v8 =	vld.idx.msk [tilespmem:v9+s19+$0x0], $0xffff  }
0x1d2: {  	v9 =	vand.u32 $0x7F, v19  }
0x1d3: {  	v9 =	vor.u32 v9, v22;
	_ =	sdelay $0x3  }
0x1d4: {  	[tilespmem:s31+$0x14B80] =	vst v8  }
0x1d5: {  	v8 =	vld.idx.msk [tilespmem:v9+s19+$0x0], $0xffff  }
0x1d6: {  	v9 =	vand.u32 $0x7F, v20  }
0x1d7: {  	v9 =	vor.u32 v9, v23;
	_ =	sdelay $0x3  }
0x1d8: {  	[tilespmem:s31+$0x15800] =	vst v8  }
0x1d9: {  	v8 =	vld.idx.msk [tilespmem:v9+s19+$0x0], $0xffff  }
0x1da: {  	v9 =	vand.u32 $0x7F, v21  }
0x1db: {  	v9 =	vor.u32 v9, v24;
	_ =	sdelay $0x3  }
0x1dc: {  	[tilespmem:s31+$0x15880] =	vst v8  }
0x1dd: {  	v8 =	vld.idx.msk [tilespmem:v9+s19+$0x0], $0xffff  }
0x1de: {  	v9 =	vand.u32 $0x7F, v25  }
0x1df: {  	v9 =	vor.u32 v9, v28;
	_ =	sdelay $0x3  }
0x1e0: {  	[tilespmem:s31+$0x15900] =	vst v8  }
0x1e1: {  	v8 =	vld.idx.msk [tilespmem:v9+s19+$0x0], $0xffff  }
0x1e2: {  	v6 =	vand.u32 $0x7F, v6  }
0x1e3: {  	v6 =	vor.u32 v6, v26;
	_ =	sdelay $0x3  }
0x1e4: {  	[tilespmem:s31+$0x15980] =	vst v8  }
0x1e5: {  	v6 =	vld.idx.msk [tilespmem:v6+s19+$0x0], $0xffff  }
0x1e6: {  	v4 =	vand.u32 $0x7F, v4  }
0x1e7: {  	v4 =	vor.u32 v4, v7;
	_ =	sdelay $0x3  }
0x1e8: {  	[tilespmem:s31+$0x15A00] =	vst v6  }
0x1e9: {  	v4 =	vld.idx.msk [tilespmem:v4+s19+$0x0], $0xffff  }
0x1ea: {  	v3 =	vand.u32 $0x7F, v3  }
0x1eb: {  	v3 =	vor.u32 v3, v5;
	_ =	sdelay $0x3  }
0x1ec: {  	[tilespmem:s31+$0x15A80] =	vst v4  }
0x1ed: {  	v3 =	vld.idx.msk [tilespmem:v3+s19+$0x0], $0xffff  }
0x1ee: {  	v1 =	vand.u32 $0x7F, v1  }
0x1ef: {  	v1 =	vor.u32 v1, v2  }
.Ltmp2:
0x1f0: {  	(pc) =	sbr.rel @p0 .LBB2_6-.Ltmp2, $3  }
0x1f1: {  	_ =	sdelay $0x1  }
0x1f2: {  	[tilespmem:s31+$0x15B00] =	vst v3  }
0x1f3: {  	v1 =	vld.idx.msk [tilespmem:v1+s19+$0x0], $0xffff  }
0x1f4: {  	_ =	sdelay $0x3  }
0x1f5: {  	[tilespmem:s31+$0x15B80] =	vst v1  }
0x1f6: {  	[tilespmem:s19], [sflag:$0x1] =	stream.indirect.gather [hbm4b:s6+s17], $0x80, s17, s17, $0xb8;
	[tilespmem:$0x18800] =	vst v63  }
0x1f7: {  	_ =	swait.ge [sflag:s20], $0x10000  }
0x1f8: {  	[sflag:s20] =	ssyncset.done $0x0  }
0x1f9: {  	s29 =	simm.s32 $0x600;
	[sflag:s20] =	ssyncadd.s32 $0xFFFF0000  }
0x1fa: {  	v1 =	vld [tilespmem:s29+$0x0];
	_ =	sdelay $0x1  }
0x1fb: {  	s30 =	simm.s32 $0x0  }
0x1fc: {  	v2 =	vmov s30  }
0x1fd: {  	v2 =	vshll.u32 v2, $0x7  }
0x1fe: {  	v2 =	vor.u32 v0, v2;
	v3 =	vand.u32 $0xFFFFFF80, v1  }
0x1ff: {  	v4 =	vand.u32 $0x7F, v1;
	v3 =	vadd.s32 v2, v3  }
0x200: {  	v3 =	vor.u32 v4, v3;
	_ =	sdelay $0x2  }
0x201: {  	v31 =	vadd.s32 $0x1, v1  }
0x202: {  	v5 =	vand.u32 $0xFFFFFF80, v31  }
0x203: {  	v5 =	vadd.s32 v2, v5;
	v4 =	vand.u32 $0x7F, v31;
	v3 =	vld.idx.msk [tilespmem:v3+s19+$0x0], $0xffff  }
0x204: {  	v4 =	vor.u32 v4, v5;
	_ =	sdelay $0x1  }
0x205: {  	s0 =	sand.u32 $0x70, s30;
	s2 =	sand.u32 $0xC00, s30  }
0x206: {  	s31 =	sor.u32 s0, s2;
	v32 =	vadd.s32 $0x2, v1  }
0x207: {  	v6 =	vand.u32 $0xFFFFFF80, v32;
	[tilespmem:s31+$0x16800] =	vst v3  }
0x208: {  	v5 =	vand.u32 $0x7F, v32;
	v3 =	vadd.s32 v2, v6;
	v4 =	vld.idx.msk [tilespmem:v4+s19+$0x0], $0xffff  }
0x209: {  	v3 =	vor.u32 v5, v3;
	_ =	sdelay $0x2  }
0x20a: {  	v33 =	vadd.s32 $0x3, v1  }
0x20b: {  	v34 =	vand.u32 $0xFFFFFF80, v33;
	[tilespmem:s31+$0x16880] =	vst v4  }
0x20c: {  	v35 =	vadd.s32 v2, v34;
	v5 =	vand.u32 $0x7F, v33;
	v3 =	vld.idx.msk [tilespmem:v3+s19+$0x0], $0xffff  }
0x20d: {  	v4 =	vor.u32 v5, v35;
	_ =	sdelay $0x2  }
0x20e: {  	v36 =	vadd.s32 $0x4, v1  }
0x20f: {  	v37 =	vand.u32 $0xFFFFFF80, v36;
	[tilespmem:s31+$0x16900] =	vst v3  }
0x210: {  	v5 =	vand.u32 $0x7F, v36;
	v3 =	vadd.s32 v2, v37;
	v4 =	vld.idx.msk [tilespmem:v4+s19+$0x0], $0xffff  }
0x211: {  	v3 =	vor.u32 v5, v3;
	_ =	sdelay $0x2  }
0x212: {  	v38 =	vadd.s32 $0x5, v1  }
0x213: {  	v39 =	vand.u32 $0xFFFFFF80, v38;
	[tilespmem:s31+$0x16980] =	vst v4  }
0x214: {  	v40 =	vadd.s32 v2, v39;
	v5 =	vand.u32 $0x7F, v38;
	v3 =	vld.idx.msk [tilespmem:v3+s19+$0x0], $0xffff  }
0x215: {  	v4 =	vor.u32 v5, v40;
	_ =	sdelay $0x2  }
0x216: {  	v41 =	vadd.s32 $0x6, v1  }
0x217: {  	v42 =	vand.u32 $0xFFFFFF80, v41;
	[tilespmem:s31+$0x16A00] =	vst v3  }
0x218: {  	v5 =	vand.u32 $0x7F, v41;
	v3 =	vadd.s32 v2, v42;
	v4 =	vld.idx.msk [tilespmem:v4+s19+$0x0], $0xffff  }
0x219: {  	v3 =	vor.u32 v5, v3;
	_ =	sdelay $0x2  }
0x21a: {  	v43 =	vadd.s32 $0x7, v1  }
0x21b: {  	v44 =	vand.u32 $0xFFFFFF80, v43;
	[tilespmem:s31+$0x16A80] =	vst v4  }
0x21c: {  	v45 =	vadd.s32 v2, v44;
	v5 =	vand.u32 $0x7F, v43;
	v3 =	vld.idx.msk [tilespmem:v3+s19+$0x0], $0xffff  }
0x21d: {  	v4 =	vor.u32 v5, v45;
	_ =	sdelay $0x2  }
0x21e: {  	v46 =	vadd.s32 $0x8, v1  }
0x21f: {  	v47 =	vand.u32 $0xFFFFFF80, v46;
	[tilespmem:s31+$0x16B00] =	vst v3  }
0x220: {  	v5 =	vand.u32 $0x7F, v46;
	v3 =	vadd.s32 v2, v47;
	v4 =	vld.idx.msk [tilespmem:v4+s19+$0x0], $0xffff  }
0x221: {  	v3 =	vor.u32 v5, v3;
	_ =	sdelay $0x2  }
0x222: {  	v48 =	vadd.s32 $0x9, v1  }
0x223: {  	v49 =	vand.u32 $0xFFFFFF80, v48;
	[tilespmem:s31+$0x16B80] =	vst v4  }
0x224: {  	v50 =	vadd.s32 v2, v49;
	v5 =	vand.u32 $0x7F, v48;
	v3 =	vld.idx.msk [tilespmem:v3+s19+$0x0], $0xffff  }
0x225: {  	v4 =	vor.u32 v5, v50;
	_ =	sdelay $0x2  }
0x226: {  	v51 =	vadd.s32 $0xA, v1  }
0x227: {  	v52 =	vand.u32 $0xFFFFFF80, v51;
	[tilespmem:s31+$0x17800] =	vst v3  }
0x228: {  	v5 =	vand.u32 $0x7F, v51;
	v3 =	vadd.s32 v2, v52;
	v4 =	vld.idx.msk [tilespmem:v4+s19+$0x0], $0xffff  }
0x229: {  	v3 =	vor.u32 v5, v3;
	_ =	sdelay $0x2  }
0x22a: {  	v53 =	vadd.s32 $0xB, v1  }
0x22b: {  	v54 =	vand.u32 $0xFFFFFF80, v53;
	[tilespmem:s31+$0x17880] =	vst v4  }
0x22c: {  	v55 =	vadd.s32 v2, v54;
	v5 =	vand.u32 $0x7F, v53;
	v3 =	vld.idx.msk [tilespmem:v3+s19+$0x0], $0xffff  }
0x22d: {  	v4 =	vor.u32 v5, v55;
	_ =	sdelay $0x2  }
0x22e: {  	v56 =	vadd.s32 $0xC, v1  }
0x22f: {  	v57 =	vand.u32 $0xFFFFFF80, v56;
	[tilespmem:s31+$0x17900] =	vst v3  }
0x230: {  	v5 =	vand.u32 $0x7F, v56;
	v3 =	vadd.s32 v2, v57;
	v4 =	vld.idx.msk [tilespmem:v4+s19+$0x0], $0xffff  }
0x231: {  	v3 =	vor.u32 v5, v3;
	_ =	sdelay $0x2  }
0x232: {  	v58 =	vadd.s32 $0xD, v1  }
0x233: {  	v59 =	vand.u32 $0xFFFFFF80, v58;
	[tilespmem:s31+$0x17980] =	vst v4  }
0x234: {  	v60 =	vadd.s32 v2, v59;
	v5 =	vand.u32 $0x7F, v58;
	v3 =	vld.idx.msk [tilespmem:v3+s19+$0x0], $0xffff  }
0x235: {  	v4 =	vor.u32 v5, v60;
	_ =	sdelay $0x2  }
0x236: {  	v61 =	vadd.s32 $0xE, v1  }
0x237: {  	v62 =	vand.u32 $0xFFFFFF80, v61;
	[tilespmem:s31+$0x17A00] =	vst v3  }
0x238: {  	v5 =	vand.u32 $0x7F, v61;
	v3 =	vadd.s32 v2, v62;
	v4 =	vld.idx.msk [tilespmem:v4+s19+$0x0], $0xffff  }
0x239: {  	v3 =	vor.u32 v5, v3;
	_ =	sdelay $0x2  }
0x23a: {  	v1 =	vadd.s32 $0xF, v1  }
0x23b: {  	v63 =	vand.u32 $0xFFFFFF80, v1;
	[tilespmem:s31+$0x17A80] =	vst v4  }
0x23c: {  	v1 =	vand.u32 $0x7F, v1;
	v2 =	vadd.s32 v2, v63;
	v3 =	vld.idx.msk [tilespmem:v3+s19+$0x0], $0xffff  }
0x23d: {  	v1 =	vor.u32 v1, v2;
	_ =	sdelay $0x3  }
0x23e: {  	[tilespmem:s31+$0x17B00] =	vst v3  }
0x23f: {  	s0 =	simm.s32 $0x10;
	v1 =	vld.idx.msk [tilespmem:v1+s19+$0x0], $0xffff  }
.LBB2_8:
0x240: {  	_ =	sdelay $0x3  }
0x241: {  	p0 =	sne.s32 s0, $0x1F0;
	s30 =	sadd.s32 $0x80, s30;
	s29 =	sadd.s32 $0x10, s29;
	[tilespmem:s31+$0x17B80] =	vst v1  }
0x242: {  	s2 =	smov.u32 s0;
	s0 =	sadd.s32 $0x10, s0;
	v1 =	vld [tilespmem:s29+$0x0];
	_ =	sdelay $0x2  }
0x243: {  	v2 =	vmov s2  }
0x244: {  	v2 =	vshll.u32 v2, $0x7  }
0x245: {  	v2 =	vor.u32 v0, v2;
	v3 =	vand.u32 $0xFFFFFF80, v1;
	v4 =	vadd.s32 $0x1, v1  }
0x246: {  	v5 =	vand.u32 $0x7F, v1;
	v3 =	vadd.s32 v2, v3;
	v6 =	vand.u32 $0xFFFFFF80, v4  }
0x247: {  	v7 =	vadd.s32 $0x2, v1;
	v3 =	vor.u32 v5, v3;
	v5 =	vadd.s32 v2, v6  }
0x248: {  	v8 =	vadd.s32 $0x3, v1;
	v9 =	vadd.s32 $0x4, v1;
	v6 =	vand.u32 $0xFFFFFF80, v7  }
0x249: {  	v11 =	vand.u32 $0xFFFFFF80, v9;
	v10 =	vadd.s32 v2, v6;
	v6 =	vand.u32 $0xFFFFFF80, v8  }
0x24a: {  	v13 =	vadd.s32 $0x5, v1;
	v11 =	vadd.s32 v2, v11;
	v12 =	vadd.s32 v2, v6  }
0x24b: {  	v14 =	vadd.s32 $0x6, v1;
	v15 =	vadd.s32 $0x7, v1;
	v6 =	vand.u32 $0xFFFFFF80, v13  }
0x24c: {  	v17 =	vand.u32 $0xFFFFFF80, v15;
	v16 =	vadd.s32 v2, v6;
	v6 =	vand.u32 $0xFFFFFF80, v14;
	v3 =	vld.idx.msk [tilespmem:v3+s19+$0x0], $0xffff  }
0x24d: {  	v4 =	vand.u32 $0x7F, v4;
	v17 =	vadd.s32 v2, v17;
	v18 =	vadd.s32 v2, v6  }
0x24e: {  	v19 =	vadd.s32 $0x8, v1;
	v20 =	vadd.s32 $0x9, v1;
	v5 =	vor.u32 v4, v5  }
0x24f: {  	v21 =	vadd.s32 $0xA, v1;
	v4 =	vand.u32 $0xFFFFFF80, v19;
	v6 =	vand.u32 $0xFFFFFF80, v20  }
0x250: {  	s2 =	sand.u32 $0x70, s2;
	s18 =	sand.u32 $0xC00, s30;
	v22 =	vadd.s32 v2, v4;
	v4 =	vand.u32 $0xFFFFFF80, v21;
	v23 =	vadd.s32 v2, v6  }
0x251: {  	s31 =	sor.u32 s2, s18;
	v25 =	vadd.s32 $0xB, v1;
	v24 =	vadd.s32 v2, v4;
	v6 =	vadd.s32 $0xC, v1  }
0x252: {  	v4 =	vadd.s32 $0xD, v1;
	v26 =	vand.u32 $0xFFFFFF80, v6;
	[tilespmem:s31+$0x16800] =	vst v3;
	v3 =	vand.u32 $0xFFFFFF80, v25  }
0x253: {  	v26 =	vadd.s32 v2, v26;
	v27 =	vld.idx.msk [tilespmem:v5+s19+$0x0], $0xffff;
	v28 =	vadd.s32 v2, v3;
	v3 =	vand.u32 $0xFFFFFF80, v4  }
0x254: {  	v5 =	vand.u32 $0x7F, v7;
	v7 =	vadd.s32 v2, v3;
	v3 =	vadd.s32 $0xE, v1  }
0x255: {  	v10 =	vor.u32 v5, v10;
	v1 =	vadd.s32 $0xF, v1;
	v5 =	vand.u32 $0xFFFFFF80, v3  }
0x256: {  	v29 =	vand.u32 $0xFFFFFF80, v1;
	v5 =	vadd.s32 v2, v5  }
0x257: {  	v2 =	vadd.s32 v2, v29;
	_ =	sdelay $0x1  }
0x258: {  	[tilespmem:s31+$0x16880] =	vst v27  }
0x259: {  	v10 =	vld.idx.msk [tilespmem:v10+s19+$0x0], $0xffff  }
0x25a: {  	v8 =	vand.u32 $0x7F, v8  }
0x25b: {  	v8 =	vor.u32 v8, v12;
	_ =	sdelay $0x3  }
0x25c: {  	[tilespmem:s31+$0x16900] =	vst v10  }
0x25d: {  	v8 =	vld.idx.msk [tilespmem:v8+s19+$0x0], $0xffff  }
0x25e: {  	v9 =	vand.u32 $0x7F, v9  }
0x25f: {  	v9 =	vor.u32 v9, v11;
	_ =	sdelay $0x3  }
0x260: {  	[tilespmem:s31+$0x16980] =	vst v8  }
0x261: {  	v8 =	vld.idx.msk [tilespmem:v9+s19+$0x0], $0xffff  }
0x262: {  	v9 =	vand.u32 $0x7F, v13  }
0x263: {  	v9 =	vor.u32 v9, v16;
	_ =	sdelay $0x3  }
0x264: {  	[tilespmem:s31+$0x16A00] =	vst v8  }
0x265: {  	v8 =	vld.idx.msk [tilespmem:v9+s19+$0x0], $0xffff  }
0x266: {  	v9 =	vand.u32 $0x7F, v14  }
0x267: {  	v9 =	vor.u32 v9, v18;
	_ =	sdelay $0x3  }
0x268: {  	[tilespmem:s31+$0x16A80] =	vst v8  }
0x269: {  	v8 =	vld.idx.msk [tilespmem:v9+s19+$0x0], $0xffff  }
0x26a: {  	v9 =	vand.u32 $0x7F, v15  }
0x26b: {  	v9 =	vor.u32 v9, v17;
	_ =	sdelay $0x3  }
0x26c: {  	[tilespmem:s31+$0x16B00] =	vst v8  }
0x26d: {  	v8 =	vld.idx.msk [tilespmem:v9+s19+$0x0], $0xffff  }
0x26e: {  	v9 =	vand.u32 $0x7F, v19  }
0x26f: {  	v9 =	vor.u32 v9, v22;
	_ =	sdelay $0x3  }
0x270: {  	[tilespmem:s31+$0x16B80] =	vst v8  }
0x271: {  	v8 =	vld.idx.msk [tilespmem:v9+s19+$0x0], $0xffff  }
0x272: {  	v9 =	vand.u32 $0x7F, v20  }
0x273: {  	v9 =	vor.u32 v9, v23;
	_ =	sdelay $0x3  }
0x274: {  	[tilespmem:s31+$0x17800] =	vst v8  }
0x275: {  	v8 =	vld.idx.msk [tilespmem:v9+s19+$0x0], $0xffff  }
0x276: {  	v9 =	vand.u32 $0x7F, v21  }
0x277: {  	v9 =	vor.u32 v9, v24;
	_ =	sdelay $0x3  }
0x278: {  	[tilespmem:s31+$0x17880] =	vst v8  }
0x279: {  	v8 =	vld.idx.msk [tilespmem:v9+s19+$0x0], $0xffff  }
0x27a: {  	v9 =	vand.u32 $0x7F, v25  }
0x27b: {  	v9 =	vor.u32 v9, v28;
	_ =	sdelay $0x3  }
0x27c: {  	[tilespmem:s31+$0x17900] =	vst v8  }
0x27d: {  	v8 =	vld.idx.msk [tilespmem:v9+s19+$0x0], $0xffff  }
0x27e: {  	v6 =	vand.u32 $0x7F, v6  }
0x27f: {  	v6 =	vor.u32 v6, v26;
	_ =	sdelay $0x3  }
0x280: {  	[tilespmem:s31+$0x17980] =	vst v8  }
0x281: {  	v6 =	vld.idx.msk [tilespmem:v6+s19+$0x0], $0xffff  }
0x282: {  	v4 =	vand.u32 $0x7F, v4  }
0x283: {  	v4 =	vor.u32 v4, v7;
	_ =	sdelay $0x3  }
0x284: {  	[tilespmem:s31+$0x17A00] =	vst v6  }
0x285: {  	v4 =	vld.idx.msk [tilespmem:v4+s19+$0x0], $0xffff  }
0x286: {  	v3 =	vand.u32 $0x7F, v3  }
0x287: {  	v3 =	vor.u32 v3, v5;
	_ =	sdelay $0x3  }
0x288: {  	[tilespmem:s31+$0x17A80] =	vst v4  }
0x289: {  	v3 =	vld.idx.msk [tilespmem:v3+s19+$0x0], $0xffff  }
0x28a: {  	v1 =	vand.u32 $0x7F, v1  }
0x28b: {  	v1 =	vor.u32 v1, v2  }
.Ltmp3:
0x28c: {  	(pc) =	sbr.rel @p0 .LBB2_8-.Ltmp3, $3  }
0x28d: {  	_ =	sdelay $0x1  }
0x28e: {  	[tilespmem:s31+$0x17B00] =	vst v3  }
0x28f: {  	v1 =	vld.idx.msk [tilespmem:v1+s19+$0x0], $0xffff  }
0x290: {  	_ =	sdelay $0x3  }
0x291: {  	[tilespmem:s31+$0x17B80] =	vst v1  }
0x292: {  	[hbm4b:s11+s21] =	stream.strided.scatter [tilespmem:s23], [sflag:$0x2], $0x2000, s22, s21, $0x38;
	[tilespmem:$0x18800] =	vst v63  }
0x293: {  	_ =	swait.ge [sflag:s16], $0x2000  }
0x294: {  	[sflag:s16] =	ssyncset.done $0x0  }
0x295: {  	[sflag:s16] =	ssyncadd.s32 $0xFFFFE000  }
0x296: {  	[hbm4b:s12+s21] =	stream.strided.scatter [tilespmem:s24], [sflag:$0x2], $0x2000, s22, s21, $0x38;
	[tilespmem:$0x18800] =	vst v63  }
0x297: {  	_ =	swait.ge [sflag:s16], $0x2000  }
0x298: {  	[sflag:s16] =	ssyncset.done $0x0  }
0x299: {  	[sflag:s16] =	ssyncadd.s32 $0xFFFFE000  }
0x29a: {  	[hbm4b:s13+s21] =	stream.strided.scatter [tilespmem:s25], [sflag:$0x2], $0x2000, s22, s21, $0x38;
	[tilespmem:$0x18800] =	vst v63  }
0x29b: {  	s28 =	sadd.s32 $0x1, s28;
	_ =	swait.ge [sflag:s16], $0x2000  }
0x29c: {  	p0 =	sne.s32 s28, s15;
	[sflag:s16] =	ssyncset.done $0x0  }
.Ltmp4:
0x29d: {  	[sflag:s16] =	ssyncadd.s32 $0xFFFFE000;
	(pc) =	sbr.rel @p0 .LBB2_1-.Ltmp4, $4  }
0x29e: {  	[hbm4b:s14+s21] =	stream.strided.scatter [tilespmem:s26], [sflag:$0x2], $0x2000, s22, s21, $0x38;
	[tilespmem:$0x18800] =	vst v63  }
0x29f: {  	_ =	swait.ge [sflag:s16], $0x2000  }
0x2a0: {  	[sflag:s16] =	ssyncset.done $0x0  }
0x2a1: {  	[sflag:s16] =	ssyncadd.s32 $0xFFFFE000  }
0x2a2: {  	_ =	sfence.sel $0x180000  }
0x2a3: {  	[bflag:$0x0] =	sbarrier.arrive $0xFFFF  }
0x2a4: {  	_ =	strace $0x90000047  }
0x2a5: {  	s0 =	stileid.u32;
	[bflag:$0x2] =	sbarrier.arrive $0xFFFF  }
0x2a6: {  	p0 =	sne.s32 s0, $0x0;
	s0 =	rddreg [dreg:$0x2]  }
0x2a7: {  	s0 =	sadd.s32 @!p0 $0x100000, s0  }
0x2a8: {  	[sflag:s0] =	ssyncadd.tile.s32 @!p0 $0x1;
	_ =	shalt  }
.Lfunc_end2:
_tile_overlayer_lowered:
.L_overlay_start_2:
0x2a9: {  	(tag) =	ssettag $0x2  }
0x2aa: {  	s0 =	rddreg [dreg:$0x0];
	s2 =	stileid.u32  }
0x2ab: {  	s1 =	rddreg [dreg:$0x1];
	p0 =	sne.s32 s2, $0x0  }
0x2ac: {  	s3 =	rddreg [dreg:$0x2];
	[bflag:$0x3] =	sbarrier.arrive $0xFFFF;
	s2 =	simm.s32 @!p0 $0x1C02  }
0x2ad: {  	[timem:s3], [sflag:s2] =	dma.local @!p0 [hbm:s0], s1  }
0x2ae: {  	s0 =	simm.s32 @!p0 $0x2  }
0x2af: {  	_ =	swait.ge @!p0 [sflag:s0], s1  }
0x2b0: {  	s1 =	ssub.s32 @!p0 $0x0, s1;
	[sflag:s0] =	ssyncset.done @!p0 $0x0  }
0x2b1: {  	[sflag:s0] =	ssyncadd.s32 @!p0 s1  }
0x2b2: {  	[bflag:$0x3] =	sbarrier.arrive $0xFFFF  }
0x2b3: {  	_ =	shalt  }

</sc_bundles>
